<compile_context>
chip_gen: v7x
topology: tpu7x:2x2x1
jax: 0.10.2.dev20260603
libtpu: 0.0.44.dev20260713+nightly
codegen_flags: <defaults>
</compile_context>

<pallas_src>
import jax
import jax.numpy as jnp
from jax import lax
from jax.experimental import pallas as pl
from jax.experimental.pallas import tpu as pltpu, tpu_sc as plsc

N_NODES = 10000
N_PAD = 10240
N_EDGES = 320000
CHUNK = 80
CPW = 125
CHUNK_B = 128
CPW_B = 79
E_PAD = 32 * CPW * CHUNK
N_GRAPHS = 64
ROWS_PER_SUB = N_PAD // 16

_HIGH = lax.Precision.HIGHEST


def _sc_mesh():
    return plsc.VectorSubcoreMesh(
        core_axis_name="c", subcore_axis_name="s", num_cores=2, num_subcores=16
    )


def _sc_hist(dst_r, ones_rows, zrows):

    def body(dst_hbm, ones_hbm, z_hbm, out_hbm, dst_v, ones_v, agg_sh, sem):
        c = lax.axis_index("c")
        s = lax.axis_index("s")
        w = s * 2 + c
        pltpu.sync_copy(dst_hbm.at[w], dst_v)
        pltpu.sync_copy(ones_hbm, ones_v)
        pltpu.sync_copy(z_hbm, agg_sh.at[pl.ds(s * ROWS_PER_SUB, ROWS_PER_SUB)])
        plsc.subcore_barrier()

        def chunk(i, carry):
            pltpu.sync_copy(ones_v, agg_sh.at[dst_v.at[i]], add=True)
            return carry

        lax.fori_loop(0, CPW_B, chunk, 0)
        plsc.subcore_barrier()
        pltpu.sync_copy(
            agg_sh.at[pl.ds(s * ROWS_PER_SUB, ROWS_PER_SUB)],
            out_hbm.at[c, pl.ds(s * ROWS_PER_SUB, ROWS_PER_SUB)],
        )

    k = pl.kernel(
        body,
        out_type=jax.ShapeDtypeStruct((2, N_PAD, 16), jnp.float32),
        mesh=_sc_mesh(),
        compiler_params=pltpu.CompilerParams(use_tc_tiling_on_sc=False),
        scratch_types=[
            pltpu.VMEM((CPW_B, CHUNK_B), jnp.int32),
            pltpu.VMEM((CHUNK_B, 16), jnp.float32),
            pltpu.VMEM_SHARED((N_PAD, 16), jnp.float32),
            pltpu.SemaphoreType.DMA,
        ],
    )
    return k(dst_r, ones_rows, zrows)


def _sc_agg(p, src_r, dst_r, zrows, feat, cpw, chunk_sz):

    epw = cpw * chunk_sz

    def body(p_hbm, src_hbm, dst_hbm, z_hbm, out_hbm, src_v, dst_v, rows_a,
             rows_b, agg_sh, gsem_a, gsem_b, ssem_a, ssem_b):
        c = lax.axis_index("c")
        s = lax.axis_index("s")
        w = s * 2 + c
        pltpu.sync_copy(src_hbm.at[pl.ds(w * epw, epw)], src_v)
        pltpu.sync_copy(dst_hbm.at[w], dst_v)
        pltpu.sync_copy(z_hbm, agg_sh.at[pl.ds(s * ROWS_PER_SUB, ROWS_PER_SUB)])
        plsc.subcore_barrier()

        def g_start(i, buf, sem):
            pltpu.async_copy(p_hbm.at[src_v.at[pl.ds(i * chunk_sz, chunk_sz)]], buf, sem)

        def g_wait(i, buf, sem):
            pltpu.make_async_copy(
                p_hbm.at[src_v.at[pl.ds(i * chunk_sz, chunk_sz)]], buf, sem
            ).wait()

        def s_start(i, buf, sem):
            pltpu.async_copy(buf, agg_sh.at[dst_v.at[i]], sem, add=True)

        def s_wait(i, buf, sem):
            pltpu.make_async_copy(buf, agg_sh.at[dst_v.at[i]], sem).wait()

        g_start(0, rows_a, gsem_a)
        g_start(1, rows_b, gsem_b)

        def step(k, carry):
            i = 2 * k
            g_wait(i, rows_a, gsem_a)
            s_start(i, rows_a, ssem_a)
            g_wait(i + 1, rows_b, gsem_b)
            s_start(i + 1, rows_b, ssem_b)
            s_wait(i, rows_a, ssem_a)
            g_start(i + 2, rows_a, gsem_a)
            s_wait(i + 1, rows_b, ssem_b)

            @pl.when(i + 3 < cpw)
            def _():
                g_start(i + 3, rows_b, gsem_b)

            return carry

        lax.fori_loop(0, (cpw - 1) // 2, step, 0)
        g_wait(cpw - 1, rows_a, gsem_a)
        s_start(cpw - 1, rows_a, ssem_a)
        s_wait(cpw - 1, rows_a, ssem_a)
        plsc.subcore_barrier()
        pltpu.sync_copy(
            agg_sh.at[pl.ds(s * ROWS_PER_SUB, ROWS_PER_SUB)],
            out_hbm.at[c, pl.ds(s * ROWS_PER_SUB, ROWS_PER_SUB)],
        )

    extra = {} if feat == 128 else dict(
        compiler_params=pltpu.CompilerParams(use_tc_tiling_on_sc=False))
    k = pl.kernel(
        body,
        out_type=jax.ShapeDtypeStruct((2, N_PAD, feat), jnp.float32),
        mesh=_sc_mesh(),
        **extra,
        scratch_types=[
            pltpu.VMEM((cpw * chunk_sz,), jnp.int32),
            pltpu.VMEM((cpw, chunk_sz), jnp.int32),
            pltpu.VMEM((chunk_sz, feat), jnp.float32),
            pltpu.VMEM((chunk_sz, feat), jnp.float32),
            pltpu.VMEM_SHARED((N_PAD, feat), jnp.float32),
            pltpu.SemaphoreType.DMA,
            pltpu.SemaphoreType.DMA,
            pltpu.SemaphoreType.DMA,
            pltpu.SemaphoreType.DMA,
        ],
    )
    return k(p, src_r, dst_r, zrows)


def _tc_scale1(dom_x, w1cat, degp):
    blk = 1000

    def body(x_ref, w_ref, deg_ref, p1_ref, dinv_ref):
        d = deg_ref[0, :, 0:1] + deg_ref[1, :, 0:1] + 1.0
        dinv = lax.rsqrt(d)
        p1_ref[...] = (
            jnp.dot(x_ref[...], w_ref[...], preferred_element_type=jnp.float32,
                    precision=_HIGH)
            * dinv
        )
        dinv_ref[...] = jnp.broadcast_to(dinv, (blk, 8))

    return pl.pallas_call(
        body,
        grid=(N_NODES // blk,),
        in_specs=[
            pl.BlockSpec((blk, 128), lambda i: (i, 0)),
            pl.BlockSpec((128, 128), lambda i: (0, 0)),
            pl.BlockSpec((2, blk, 16), lambda i: (0, i, 0)),
        ],
        out_specs=[
            pl.BlockSpec((blk, 128), lambda i: (i, 0)),
            pl.BlockSpec((blk, 8), lambda i: (i, 0)),
        ],
        out_shape=[
            jax.ShapeDtypeStruct((N_NODES, 128), jnp.float32),
            jax.ShapeDtypeStruct((N_NODES, 8), jnp.float32),
        ],
    )(dom_x, w1cat, degp)


def _tc_layer2(agg1, p1, dinv, b1cat, w2cat):
    blk = 1000

    def body(a_ref, p1_ref, dinv_ref, b1_ref, w2_ref, r_ref):
        dv = dinv_ref[:, 0:1]
        h = jnp.maximum((a_ref[0] + a_ref[1] + p1_ref[...]) * dv + b1_ref[...], 0.0)
        r_ref[...] = jnp.dot(h * dv, w2_ref[...],
                             preferred_element_type=jnp.float32, precision=_HIGH)

    return pl.pallas_call(
        body,
        grid=(N_NODES // blk,),
        in_specs=[
            pl.BlockSpec((2, blk, 128), lambda i: (0, i, 0)),
            pl.BlockSpec((blk, 128), lambda i: (i, 0)),
            pl.BlockSpec((blk, 8), lambda i: (i, 0)),
            pl.BlockSpec((1, 128), lambda i: (0, 0)),
            pl.BlockSpec((128, 64), lambda i: (0, 0)),
        ],
        out_specs=pl.BlockSpec((blk, 64), lambda i: (i, 0)),
        out_shape=jax.ShapeDtypeStruct((N_NODES, 64), jnp.float32),
    )(agg1, p1, dinv, b1cat, w2cat)


def _tc_dom_pool(agg2, r, dinv, b2cat, batch3, pool_logs, cnt_logs):
    blk = 1000
    nblk = N_NODES // blk

    def body(a_ref, r_ref, dinv_ref, b2_ref, bat_ref, plg_ref, clg_ref,
             out_ref, pool_ref, cnt_ref):
        i = pl.program_id(0)
        z = ((a_ref[0] + a_ref[1] + r_ref[...]) * dinv_ref[:, 0:1]
             + b2_ref[...])
        b = bat_ref[0, 0, :]
        mask = (b[:, None] == lax.broadcasted_iota(jnp.int32, (1, N_GRAPHS), 1)
                ).astype(jnp.float32)
        psum = lax.dot_general(mask, z, (((0,), (0,)), ((), ())), precision=_HIGH)
        csum = lax.dot_general(mask, jnp.ones((blk, 8), jnp.float32),
                               (((0,), (0,)), ((), ())), precision=_HIGH)

        @pl.when(i == 0)
        def _():
            pool_ref[...] = jnp.zeros_like(pool_ref)
            cnt_ref[...] = jnp.zeros_like(cnt_ref)

        pool_ref[...] += psum
        cnt_ref[...] += csum

        @pl.when(i == nblk - 1)
        def _():
            md = pool_ref[...] / jnp.clip(cnt_ref[:, 0:1], 1.0)
            ml = plg_ref[...] / jnp.clip(clg_ref[:, 0:1], 1.0)
            dd = md[:, 32:64] - md[:, 0:32] + 1e-6
            dl = ml[:, 32:64] - ml[:, 0:32] + 1e-6
            out_ref[...] = (
                jnp.sqrt(jnp.sum(dd * dd, axis=1, keepdims=True))
                + jnp.sqrt(jnp.sum(dl * dl, axis=1, keepdims=True))
            )

    return pl.pallas_call(
        body,
        grid=(nblk,),
        in_specs=[
            pl.BlockSpec((2, blk, 64), lambda i: (0, i, 0)),
            pl.BlockSpec((blk, 64), lambda i: (i, 0)),
            pl.BlockSpec((blk, 8), lambda i: (i, 0)),
            pl.BlockSpec((1, 64), lambda i: (0, 0)),
            pl.BlockSpec((1, 1, blk), lambda i: (i, 0, 0)),
            pl.BlockSpec((N_GRAPHS, 64), lambda i: (0, 0)),
            pl.BlockSpec((N_GRAPHS, 8), lambda i: (0, 0)),
        ],
        out_specs=[
            pl.BlockSpec((N_GRAPHS, 1), lambda i: (0, 0)),
            pl.BlockSpec((N_GRAPHS, 64), lambda i: (0, 0)),
            pl.BlockSpec((N_GRAPHS, 8), lambda i: (0, 0)),
        ],
        out_shape=[
            jax.ShapeDtypeStruct((N_GRAPHS, 1), jnp.float32),
            jax.ShapeDtypeStruct((N_GRAPHS, 64), jnp.float32),
            jax.ShapeDtypeStruct((N_GRAPHS, 8), jnp.float32),
        ],
    )(agg2, r, dinv, b2cat, batch3, pool_logs, cnt_logs)


def _tc_logs_pool(logs_pad, wl1, bl1, wl2, bl2, lbatch3):
    blk = 1024
    n = 16384

    def body(x_ref, w1_ref, b1_ref, w2_ref, b2_ref, bat_ref, pool_ref, cnt_ref):
        i = pl.program_id(0)
        h = jnp.maximum(
            jnp.dot(x_ref[...], w1_ref[...], preferred_element_type=jnp.float32,
                    precision=_HIGH) + b1_ref[...], 0.0)
        z = jnp.dot(h, w2_ref[...], preferred_element_type=jnp.float32,
                    precision=_HIGH) + b2_ref[...]
        b = bat_ref[0, 0, :]
        mask = (b[:, None] == lax.broadcasted_iota(jnp.int32, (1, N_GRAPHS), 1)
                ).astype(jnp.float32)
        psum = lax.dot_general(mask, z, (((0,), (0,)), ((), ())), precision=_HIGH)
        csum = lax.dot_general(mask, jnp.ones((blk, 8), jnp.float32),
                               (((0,), (0,)), ((), ())), precision=_HIGH)

        @pl.when(i == 0)
        def _():
            pool_ref[...] = jnp.zeros_like(pool_ref)
            cnt_ref[...] = jnp.zeros_like(cnt_ref)

        pool_ref[...] += psum
        cnt_ref[...] += csum

    return pl.pallas_call(
        body,
        grid=(n // blk,),
        in_specs=[
            pl.BlockSpec((blk, 64), lambda i: (i, 0)),
            pl.BlockSpec((64, 64), lambda i: (0, 0)),
            pl.BlockSpec((1, 64), lambda i: (0, 0)),
            pl.BlockSpec((64, 64), lambda i: (0, 0)),
            pl.BlockSpec((1, 64), lambda i: (0, 0)),
            pl.BlockSpec((1, 1, blk), lambda i: (i, 0, 0)),
        ],
        out_specs=[
            pl.BlockSpec((N_GRAPHS, 64), lambda i: (0, 0)),
            pl.BlockSpec((N_GRAPHS, 8), lambda i: (0, 0)),
        ],
        out_shape=[
            jax.ShapeDtypeStruct((N_GRAPHS, 64), jnp.float32),
            jax.ShapeDtypeStruct((N_GRAPHS, 8), jnp.float32),
        ],
    )(logs_pad, wl1, bl1, wl2, bl2, lbatch3)


def kernel(dom_x, dom_edge_index, dom_batch, logs_x, logs_batch,
           Wg1, bg1, Wg2, bg2, Wt1, bt1, Wt2, bt2,
           Wlg1, blg1, Wlg2, blg2, Wlt1, blt1, Wlt2, blt2):
    f32 = jnp.float32
    w1cat = jnp.concatenate([Wg1, Wt1], axis=1).astype(f32)
    b1cat = jnp.concatenate([bg1, bt1])[None, :].astype(f32)
    w2cat = jnp.zeros((128, 64), f32).at[0:64, 0:32].set(Wg2).at[64:128, 32:64].set(Wt2)
    b2cat = jnp.concatenate([bg2, bt2])[None, :].astype(f32)
    wl1 = jnp.zeros((64, 64), f32).at[0:50, 0:25].set(Wlg1).at[0:50, 25:50].set(Wlt1)
    bl1 = jnp.zeros((1, 64), f32).at[0, 0:25].set(blg1).at[0, 25:50].set(blt1)
    wl2 = jnp.zeros((64, 64), f32).at[0:25, 0:32].set(Wlg2).at[25:50, 32:64].set(Wlt2)
    bl2 = jnp.concatenate([blg2, blt2])[None, :].astype(f32)
    logs_pad = jnp.pad(logs_x.astype(f32), ((0, 0), (0, 14)))

    src_i = dom_edge_index[0].astype(jnp.int32)
    dst_i = dom_edge_index[1].astype(jnp.int32)
    src_flat = src_i
    dst_r = dst_i.reshape(32, CPW, CHUNK)
    nxb = 32 * CPW_B * CHUNK_B - N_EDGES
    pad_ids = lax.iota(jnp.int32, nxb)
    src_flat_b = jnp.concatenate([src_i, pad_ids % N_NODES])
    dst_rb = jnp.concatenate(
        [dst_i, N_NODES + pad_ids % (N_PAD - N_NODES)]
    ).reshape(32, CPW_B, CHUNK_B)
    batch3 = dom_batch.astype(jnp.int32).reshape(10, 1, 1000)
    lbatch3 = logs_batch.astype(jnp.int32).reshape(16, 1, 1024)

    ones_rows = jnp.ones((CHUNK_B, 16), f32)
    z16 = jnp.zeros((ROWS_PER_SUB, 16), f32)
    z128 = jnp.zeros((ROWS_PER_SUB, 128), f32)
    z64 = jnp.zeros((ROWS_PER_SUB, 64), f32)

    degp = _sc_hist(dst_rb, ones_rows, z16)
    p1, dinv = _tc_scale1(dom_x.astype(f32), w1cat, degp)
    agg1 = _sc_agg(p1, src_flat, dst_r, z128, 128, CPW, CHUNK)
    pool_logs, cnt_logs = _tc_logs_pool(logs_pad, wl1, bl1, wl2, bl2, lbatch3)
    r = _tc_layer2(agg1, p1, dinv, b1cat, w2cat)
    agg2 = _sc_agg(r, src_flat_b, dst_rb, z64, 64, CPW_B, CHUNK_B)
    out, _, _ = _tc_dom_pool(agg2, r, dinv, b2cat, batch3, pool_logs, cnt_logs)
    return out.reshape(N_GRAPHS)

# --- scband reference (transcript-rebuilt; emitter-appended) ---
"""Pipeline reference for scband-rdnscorer-75033078661504 (READ-ONLY COPY).

The authoritative reference and input builder live on the scoring server;
editing this copy changes nothing except your own understanding.
"""

import jax, jax.numpy as jnp
import numpy as np

N_NODES = 10000
N_EDGES = 320000
N_GRAPHS = 64
D_IN = 128
D_OUT = 32
TEXT_EMBED = 25
L_LOGS = 16384


def gcn_conv(x, src, dst, W, b, num_nodes):
    h = x @ W
    loops = jnp.arange(num_nodes, dtype=src.dtype)
    s = jnp.concatenate([src, loops])
    d = jnp.concatenate([dst, loops])
    deg = jnp.zeros((num_nodes,), dtype=h.dtype).at[d].add(1.0)
    dinv = jax.lax.rsqrt(jnp.clip(deg, 1.0))
    norm = dinv[s] * dinv[d]
    msg = h[s] * norm[:, None]
    out = jnp.zeros((num_nodes, h.shape[1]), dtype=h.dtype).at[d].add(msg)
    return out + b


def gae_encoder(x, src, dst, W1, b1, W2, b2, num_nodes):
    h = jax.nn.relu(gcn_conv(x, src, dst, W1, b1, num_nodes))
    return gcn_conv(h, src, dst, W2, b2, num_nodes)


def global_mean_pool(x, batch, num_graphs):
    s = jax.ops.segment_sum(x, batch, num_segments=num_graphs)
    cnt = jax.ops.segment_sum(jnp.ones((x.shape[0],), dtype=x.dtype), batch, num_segments=num_graphs)
    return s / jnp.clip(cnt, 1.0)[:, None]


def pairwise_distance(x1, x2, eps=1e-6):
    return jnp.sqrt(jnp.sum((x1 - x2 + eps) ** 2, axis=1))


def _linear_init(k, fan_in, fan_out):
    bound = 1.0 / np.sqrt(fan_in)
    k1, k2 = jax.random.split(k)
    W = jax.random.uniform(k1, (fan_in, fan_out), minval=-bound, maxval=bound, dtype=jnp.float32)
    b = jax.random.uniform(k2, (fan_out,), minval=-bound, maxval=bound, dtype=jnp.float32)
    return W, b


def setup_inputs(seed: int = 0):
    key = jax.random.key(seed)
    ks = jax.random.split(key, 16)
    dom_x = jax.random.normal(ks[0], (N_NODES, D_IN), dtype=jnp.float32)
    dom_edge_index = jax.random.randint(ks[1], (2, N_EDGES), 0, N_NODES)
    dom_batch = jnp.sort(jax.random.randint(ks[2], (N_NODES,), 0, N_GRAPHS))
    logs_x = jax.random.normal(ks[3], (L_LOGS, 2 * TEXT_EMBED), dtype=jnp.float32)
    logs_batch = jnp.sort(jax.random.randint(ks[4], (L_LOGS,), 0, N_GRAPHS))
    Wg1, bg1 = _linear_init(ks[5], D_IN, 2 * D_OUT)
    Wg2, bg2 = _linear_init(ks[6], 2 * D_OUT, D_OUT)
    Wt1, bt1 = _linear_init(ks[7], D_IN, 2 * D_OUT)
    Wt2, bt2 = _linear_init(ks[8], 2 * D_OUT, D_OUT)
    Wlg1, blg1 = _linear_init(ks[9], 2 * TEXT_EMBED, TEXT_EMBED)
    Wlg2, blg2 = _linear_init(ks[10], TEXT_EMBED, D_OUT)
    Wlt1, blt1 = _linear_init(ks[11], 2 * TEXT_EMBED, TEXT_EMBED)
    Wlt2, blt2 = _linear_init(ks[12], TEXT_EMBED, D_OUT)
    return {"dom_x": dom_x, "dom_edge_index": dom_edge_index, "dom_batch": dom_batch, "logs_x": logs_x, "logs_batch": logs_batch, "Wg1": Wg1, "bg1": bg1, "Wg2": Wg2, "bg2": bg2, "Wt1": Wt1, "bt1": bt1, "Wt2": Wt2, "bt2": bt2, "Wlg1": Wlg1, "blg1": blg1, "Wlg2": Wlg2, "blg2": blg2, "Wlt1": Wlt1, "blt1": blt1, "Wlt2": Wlt2, "blt2": blt2}


def reference(dom_x, dom_edge_index, dom_batch, logs_x, logs_batch, Wg1, bg1, Wg2, bg2, Wt1, bt1, Wt2, bt2, Wlg1, blg1, Wlg2, blg2, Wlt1, blt1, Wlt2, blt2):
    src, dst = dom_edge_index[0], dom_edge_index[1]
    guess_dom = global_mean_pool(gae_encoder(dom_x, src, dst, Wg1, bg1, Wg2, bg2, N_NODES), dom_batch, N_GRAPHS)
    actual_dom = global_mean_pool(gae_encoder(dom_x, src, dst, Wt1, bt1, Wt2, bt2, N_NODES), dom_batch, N_GRAPHS)
    hg = jax.nn.relu(logs_x @ Wlg1 + blg1)
    guess_logs = global_mean_pool(hg @ Wlg2 + blg2, logs_batch, N_GRAPHS)
    ht = jax.nn.relu(logs_x @ Wlt1 + blt1)
    actual_logs = global_mean_pool(ht @ Wlt2 + blt2, logs_batch, N_GRAPHS)
    return pairwise_distance(actual_dom, guess_dom) + pairwise_distance(actual_logs, guess_logs)

if __name__ == "__main__":
    import jax
    _d = setup_inputs()
    print(jax.jit(kernel)(*tuple(_d.values())))

</pallas_src>

<mosaic_0001>
#map = affine_map<(d0, d1) -> (0, 0, 0)>
#map1 = affine_map<(d0, d1) -> (0, 0)>
module attributes {stable_mosaic.version = 14 : i64} {
  func.func @body(%arg0: i32, %arg1: i32, %arg2: memref<32x79x128xi32, #tpu.memory_space<hbm>>, %arg3: memref<128x16xf32, #tpu.memory_space<hbm>>, %arg4: memref<640x16xf32, #tpu.memory_space<hbm>>, %arg5: memref<2x10240x16xf32, #tpu.memory_space<hbm>>, %arg6: memref<79x128xi32, #tpu.memory_space<vmem>>, %arg7: memref<128x16xf32, #tpu.memory_space<vmem>>, %arg8: memref<10240x16xf32, #tpu.memory_space<vmem_shared>>, %arg9: memref<!tpu.dma_semaphore, #tpu.memory_space<semaphore_mem>>) attributes {dimension_semantics = [#tpu.dimension_semantics<core_parallel>, #tpu.dimension_semantics<subcore_parallel>], iteration_bounds = array<i64: 2, 16>, scalar_prefetch = 0 : i64, scratch_operands = 4 : i64, tpu.core_type = #tpu.core_type<sc_vector_subcore>, window_params = [{transform_indices = #map}, {transform_indices = #map1}, {transform_indices = #map1}, {transform_indices = #map}]} {
    %mul3A = arith.constant 2 : i32
    %mul3A_0 = arith.muli %arg1, %mul3A : i32
    %add3A = arith.addi %mul3A_0, %arg0 : i32
    "tpu.region"() ({
      %run_scoped3A = tpu.sem_alloc : memref<!tpu.dma_semaphore, #tpu.memory_space<semaphore_mem>>
      %dma_start3A = arith.constant 0 : i32
      %dma_start3A_13 = arith.constant 0 : i32
      %dma_start3A_14 = tpu.memref_slice %arg2[%add3A, %dma_start3A, %dma_start3A_13] : memref<32x79x128xi32, #tpu.memory_space<hbm>> -> memref<1x79x128xi32, #tpu.memory_space<hbm>>
      %dma_start3A_15 = tpu.memref_squeeze %dma_start3A_14 : memref<1x79x128xi32, #tpu.memory_space<hbm>> -> memref<79x128xi32, #tpu.memory_space<hbm>>
      %dma_start3A_16 = arith.constant 0 : i32
      %dma_start3A_17 = arith.constant 0 : i32
      %dma_start3A_18 = tpu.memref_slice %arg2[%add3A, %dma_start3A_16, %dma_start3A_17] : memref<32x79x128xi32, #tpu.memory_space<hbm>> -> memref<1x79x128xi32, #tpu.memory_space<hbm>>
      %dma_start3A_19 = tpu.memref_squeeze %dma_start3A_18 : memref<1x79x128xi32, #tpu.memory_space<hbm>> -> memref<79x128xi32, #tpu.memory_space<hbm>>
      tpu.enqueue_dma source(%dma_start3A_19 : memref<79x128xi32, #tpu.memory_space<hbm>>) target(%arg6 : memref<79x128xi32, #tpu.memory_space<vmem>>) target_semaphore(%run_scoped3A : memref<!tpu.dma_semaphore, #tpu.memory_space<semaphore_mem>>)
      %dma_wait3A = arith.constant 0 : i32
      %dma_wait3A_20 = arith.constant 0 : i32
      %dma_wait3A_21 = tpu.memref_slice %arg2[%add3A, %dma_wait3A, %dma_wait3A_20] : memref<32x79x128xi32, #tpu.memory_space<hbm>> -> memref<1x79x128xi32, #tpu.memory_space<hbm>>
      %dma_wait3A_22 = tpu.memref_squeeze %dma_wait3A_21 : memref<1x79x128xi32, #tpu.memory_space<hbm>> -> memref<79x128xi32, #tpu.memory_space<hbm>>
      %dma_wait3A_23 = arith.constant 0 : i32
      %dma_wait3A_24 = arith.constant 0 : i32
      %dma_wait3A_25 = tpu.memref_slice %arg2[%add3A, %dma_wait3A_23, %dma_wait3A_24] : memref<32x79x128xi32, #tpu.memory_space<hbm>> -> memref<1x79x128xi32, #tpu.memory_space<hbm>>
      %dma_wait3A_26 = tpu.memref_squeeze %dma_wait3A_25 : memref<1x79x128xi32, #tpu.memory_space<hbm>> -> memref<79x128xi32, #tpu.memory_space<hbm>>
      tpu.wait_dma2 semaphore(%run_scoped3A : memref<!tpu.dma_semaphore, #tpu.memory_space<semaphore_mem>>) src(%dma_wait3A_26 : memref<79x128xi32, #tpu.memory_space<hbm>>) dst(%arg6 : memref<79x128xi32, #tpu.memory_space<vmem>>)
      tpu.yield
    }) : () -> ()
    "tpu.region"() ({
      %run_scoped3A = tpu.sem_alloc : memref<!tpu.dma_semaphore, #tpu.memory_space<semaphore_mem>>
      tpu.enqueue_dma source(%arg3 : memref<128x16xf32, #tpu.memory_space<hbm>>) target(%arg7 : memref<128x16xf32, #tpu.memory_space<vmem>>) target_semaphore(%run_scoped3A : memref<!tpu.dma_semaphore, #tpu.memory_space<semaphore_mem>>)
      tpu.wait_dma2 semaphore(%run_scoped3A : memref<!tpu.dma_semaphore, #tpu.memory_space<semaphore_mem>>) src(%arg3 : memref<128x16xf32, #tpu.memory_space<hbm>>) dst(%arg7 : memref<128x16xf32, #tpu.memory_space<vmem>>)
      tpu.yield
    }) : () -> ()
    %mul3A_1 = arith.constant 640 : i32
    %mul3A_2 = arith.muli %arg1, %mul3A_1 : i32
    "tpu.region"() ({
      %run_scoped3A = tpu.sem_alloc : memref<!tpu.dma_semaphore, #tpu.memory_space<semaphore_mem>>
      %dma_start3A = arith.constant 0 : i32
      %dma_start3A_13 = tpu.memref_slice %arg8[%mul3A_2, %dma_start3A] : memref<10240x16xf32, #tpu.memory_space<vmem_shared>> -> memref<640x16xf32, #tpu.memory_space<vmem_shared>>
      tpu.enqueue_dma source(%arg4 : memref<640x16xf32, #tpu.memory_space<hbm>>) target(%dma_start3A_13 : memref<640x16xf32, #tpu.memory_space<vmem_shared>>) target_semaphore(%run_scoped3A : memref<!tpu.dma_semaphore, #tpu.memory_space<semaphore_mem>>)
      %dma_wait3A = arith.constant 0 : i32
      %dma_wait3A_14 = tpu.memref_slice %arg8[%mul3A_2, %dma_wait3A] : memref<10240x16xf32, #tpu.memory_space<vmem_shared>> -> memref<640x16xf32, #tpu.memory_space<vmem_shared>>
      tpu.wait_dma2 semaphore(%run_scoped3A : memref<!tpu.dma_semaphore, #tpu.memory_space<semaphore_mem>>) src(%arg4 : memref<640x16xf32, #tpu.memory_space<hbm>>) dst(%dma_wait3A_14 : memref<640x16xf32, #tpu.memory_space<vmem_shared>>)
      tpu.yield
    }) : () -> ()
    %barrier3A = arith.constant 0 : index
    tpu.barrier barrier_id(%barrier3A)
    %scan3A = arith.constant 0 : i32
    %scan3A_3 = arith.constant 0 : i32
    %scan3A_4 = arith.constant 79 : i32
    %scan3A_5 = arith.addi %scan3A_3, %scan3A_4 : i32
    %scan3A_6 = arith.constant 1 : i32
    scf.for %scan3A_13 = %scan3A_3 to %scan3A_5 step %scan3A_6  : i32 {
      "tpu.region"() ({
        %run_scoped3A = tpu.sem_alloc : memref<!tpu.dma_semaphore, #tpu.memory_space<semaphore_mem>>
        %dma_start3A = arith.constant 0 : i32
        %dma_start3A_14 = tpu.memref_slice %arg6[%scan3A_13, %dma_start3A] : memref<79x128xi32, #tpu.memory_space<vmem>> -> memref<1x128xi32, #tpu.memory_space<vmem>>
        %dma_start3A_15 = tpu.memref_squeeze %dma_start3A_14 : memref<1x128xi32, #tpu.memory_space<vmem>> -> memref<128xi32, #tpu.memory_space<vmem>>
        %dma_start3A_16 = arith.constant 0 : i32
        %dma_start3A_17 = arith.constant 0 : i32
        %dma_start3A_18 = tpu.memref_slice %arg8[%dma_start3A_16, %dma_start3A_17] : memref<10240x16xf32, #tpu.memory_space<vmem_shared>> -> memref<10240x16xf32, #tpu.memory_space<vmem_shared>>
        tpu.enqueue_indirect_dma source(%arg7 : memref<128x16xf32, #tpu.memory_space<vmem>>) target(%dma_start3A_18 : memref<10240x16xf32, #tpu.memory_space<vmem_shared>>) offsets(%dma_start3A_15 : memref<128xi32, #tpu.memory_space<vmem>>) semaphore(%run_scoped3A : memref<!tpu.dma_semaphore, #tpu.memory_space<semaphore_mem>>) {add = true}
        %dma_wait3A = arith.constant 0 : i32
        %dma_wait3A_19 = tpu.memref_slice %arg6[%scan3A_13, %dma_wait3A] : memref<79x128xi32, #tpu.memory_space<vmem>> -> memref<1x128xi32, #tpu.memory_space<vmem>>
        %dma_wait3A_20 = tpu.memref_squeeze %dma_wait3A_19 : memref<1x128xi32, #tpu.memory_space<vmem>> -> memref<128xi32, #tpu.memory_space<vmem>>
        %dma_wait3A_21 = arith.constant 0 : i32
        %dma_wait3A_22 = arith.constant 0 : i32
        %dma_wait3A_23 = tpu.memref_slice %arg8[%dma_wait3A_21, %dma_wait3A_22] : memref<10240x16xf32, #tpu.memory_space<vmem_shared>> -> memref<10240x16xf32, #tpu.memory_space<vmem_shared>>
        tpu.wait_indirect_dma semaphore(%run_scoped3A : memref<!tpu.dma_semaphore, #tpu.memory_space<semaphore_mem>>) src(%arg7 : memref<128x16xf32, #tpu.memory_space<vmem>>) dst(%dma_wait3A_23 : memref<10240x16xf32, #tpu.memory_space<vmem_shared>>)
        tpu.yield
      }) : () -> ()
    }
    %scan3A_7 = arith.constant 79 : i32
    %barrier3A_8 = arith.constant 0 : index
    tpu.barrier barrier_id(%barrier3A_8)
    %mul3A_9 = arith.constant 640 : i32
    %mul3A_10 = arith.muli %arg1, %mul3A_9 : i32
    %mul3A_11 = arith.constant 640 : i32
    %mul3A_12 = arith.muli %arg1, %mul3A_11 : i32
    "tpu.region"() ({
      %run_scoped3A = tpu.sem_alloc : memref<!tpu.dma_semaphore, #tpu.memory_space<semaphore_mem>>
      %dma_start3A = arith.constant 0 : i32
      %dma_start3A_13 = tpu.memref_slice %arg5[%arg0, %mul3A_12, %dma_start3A] : memref<2x10240x16xf32, #tpu.memory_space<hbm>> -> memref<1x640x16xf32, #tpu.memory_space<hbm>>
      %dma_start3A_14 = tpu.memref_squeeze %dma_start3A_13 : memref<1x640x16xf32, #tpu.memory_space<hbm>> -> memref<640x16xf32, #tpu.memory_space<hbm>>
      %dma_start3A_15 = arith.constant 0 : i32
      %dma_start3A_16 = tpu.memref_slice %arg8[%mul3A_10, %dma_start3A_15] : memref<10240x16xf32, #tpu.memory_space<vmem_shared>> -> memref<640x16xf32, #tpu.memory_space<vmem_shared>>
      tpu.enqueue_dma source(%dma_start3A_16 : memref<640x16xf32, #tpu.memory_space<vmem_shared>>) target(%dma_start3A_14 : memref<640x16xf32, #tpu.memory_space<hbm>>) target_semaphore(%run_scoped3A : memref<!tpu.dma_semaphore, #tpu.memory_space<semaphore_mem>>)
      %dma_wait3A = arith.constant 0 : i32
      %dma_wait3A_17 = tpu.memref_slice %arg5[%arg0, %mul3A_12, %dma_wait3A] : memref<2x10240x16xf32, #tpu.memory_space<hbm>> -> memref<1x640x16xf32, #tpu.memory_space<hbm>>
      %dma_wait3A_18 = tpu.memref_squeeze %dma_wait3A_17 : memref<1x640x16xf32, #tpu.memory_space<hbm>> -> memref<640x16xf32, #tpu.memory_space<hbm>>
      %dma_wait3A_19 = arith.constant 0 : i32
      %dma_wait3A_20 = tpu.memref_slice %arg8[%mul3A_10, %dma_wait3A_19] : memref<10240x16xf32, #tpu.memory_space<vmem_shared>> -> memref<640x16xf32, #tpu.memory_space<vmem_shared>>
      tpu.wait_dma2 semaphore(%run_scoped3A : memref<!tpu.dma_semaphore, #tpu.memory_space<semaphore_mem>>) src(%dma_wait3A_20 : memref<640x16xf32, #tpu.memory_space<vmem_shared>>) dst(%dma_wait3A_18 : memref<640x16xf32, #tpu.memory_space<hbm>>)
      tpu.yield
    }) : () -> ()
    return
  }
}

#map = affine_map<(d0, d1) -> (0, 0)>
#map1 = affine_map<(d0, d1) -> (0)>
#map2 = affine_map<(d0, d1) -> (0, 0, 0)>
module attributes {stable_mosaic.version = 14 : i64} {
  func.func @body(%arg0: i32, %arg1: i32, %arg2: memref<10000x64xf32, #tpu.memory_space<hbm>>, %arg3: memref<323584xi32, #tpu.memory_space<hbm>>, %arg4: memref<32x79x128xi32, #tpu.memory_space<hbm>>, %arg5: memref<640x64xf32, #tpu.memory_space<hbm>>, %arg6: memref<2x10240x64xf32, #tpu.memory_space<hbm>>, %arg7: memref<10112xi32, #tpu.memory_space<vmem>>, %arg8: memref<79x128xi32, #tpu.memory_space<vmem>>, %arg9: memref<128x64xf32, #tpu.memory_space<vmem>>, %arg10: memref<128x64xf32, #tpu.memory_space<vmem>>, %arg11: memref<10240x64xf32, #tpu.memory_space<vmem_shared>>, %arg12: memref<!tpu.dma_semaphore, #tpu.memory_space<semaphore_mem>>, %arg13: memref<!tpu.dma_semaphore, #tpu.memory_space<semaphore_mem>>, %arg14: memref<!tpu.dma_semaphore, #tpu.memory_space<semaphore_mem>>, %arg15: memref<!tpu.dma_semaphore, #tpu.memory_space<semaphore_mem>>) attributes {dimension_semantics = [#tpu.dimension_semantics<core_parallel>, #tpu.dimension_semantics<subcore_parallel>], iteration_bounds = array<i64: 2, 16>, scalar_prefetch = 0 : i64, scratch_operands = 9 : i64, tpu.core_type = #tpu.core_type<sc_vector_subcore>, window_params = [{transform_indices = #map}, {transform_indices = #map1}, {transform_indices = #map2}, {transform_indices = #map}, {transform_indices = #map2}]} {
    %mul3A = arith.constant 2 : i32
    %mul3A_0 = arith.muli %arg1, %mul3A : i32
    %add3A = arith.addi %mul3A_0, %arg0 : i32
    %mul3A_1 = arith.constant 10112 : i32
    %mul3A_2 = arith.muli %add3A, %mul3A_1 : i32
    "tpu.region"() ({
      %run_scoped3A = tpu.sem_alloc : memref<!tpu.dma_semaphore, #tpu.memory_space<semaphore_mem>>
      %dma_start3A_42 = tpu.memref_slice %arg3[%mul3A_2] : memref<323584xi32, #tpu.memory_space<hbm>> -> memref<10112xi32, #tpu.memory_space<hbm>>
      %dma_start3A_43 = tpu.memref_slice %arg3[%mul3A_2] : memref<323584xi32, #tpu.memory_space<hbm>> -> memref<10112xi32, #tpu.memory_space<hbm>>
      tpu.enqueue_dma source(%dma_start3A_43 : memref<10112xi32, #tpu.memory_space<hbm>>) target(%arg7 : memref<10112xi32, #tpu.memory_space<vmem>>) target_semaphore(%run_scoped3A : memref<!tpu.dma_semaphore, #tpu.memory_space<semaphore_mem>>)
      %dma_wait3A_44 = tpu.memref_slice %arg3[%mul3A_2] : memref<323584xi32, #tpu.memory_space<hbm>> -> memref<10112xi32, #tpu.memory_space<hbm>>
      %dma_wait3A_45 = tpu.memref_slice %arg3[%mul3A_2] : memref<323584xi32, #tpu.memory_space<hbm>> -> memref<10112xi32, #tpu.memory_space<hbm>>
      tpu.wait_dma2 semaphore(%run_scoped3A : memref<!tpu.dma_semaphore, #tpu.memory_space<semaphore_mem>>) src(%dma_wait3A_45 : memref<10112xi32, #tpu.memory_space<hbm>>) dst(%arg7 : memref<10112xi32, #tpu.memory_space<vmem>>)
      tpu.yield
    }) : () -> ()
    "tpu.region"() ({
      %run_scoped3A = tpu.sem_alloc : memref<!tpu.dma_semaphore, #tpu.memory_space<semaphore_mem>>
      %dma_start3A_42 = arith.constant 0 : i32
      %dma_start3A_43 = arith.constant 0 : i32
      %dma_start3A_44 = tpu.memref_slice %arg4[%add3A, %dma_start3A_42, %dma_start3A_43] : memref<32x79x128xi32, #tpu.memory_space<hbm>> -> memref<1x79x128xi32, #tpu.memory_space<hbm>>
      %dma_start3A_45 = tpu.memref_squeeze %dma_start3A_44 : memref<1x79x128xi32, #tpu.memory_space<hbm>> -> memref<79x128xi32, #tpu.memory_space<hbm>>
      %dma_start3A_46 = arith.constant 0 : i32
      %dma_start3A_47 = arith.constant 0 : i32
      %dma_start3A_48 = tpu.memref_slice %arg4[%add3A, %dma_start3A_46, %dma_start3A_47] : memref<32x79x128xi32, #tpu.memory_space<hbm>> -> memref<1x79x128xi32, #tpu.memory_space<hbm>>
      %dma_start3A_49 = tpu.memref_squeeze %dma_start3A_48 : memref<1x79x128xi32, #tpu.memory_space<hbm>> -> memref<79x128xi32, #tpu.memory_space<hbm>>
      tpu.enqueue_dma source(%dma_start3A_49 : memref<79x128xi32, #tpu.memory_space<hbm>>) target(%arg8 : memref<79x128xi32, #tpu.memory_space<vmem>>) target_semaphore(%run_scoped3A : memref<!tpu.dma_semaphore, #tpu.memory_space<semaphore_mem>>)
      %dma_wait3A_50 = arith.constant 0 : i32
      %dma_wait3A_51 = arith.constant 0 : i32
      %dma_wait3A_52 = tpu.memref_slice %arg4[%add3A, %dma_wait3A_50, %dma_wait3A_51] : memref<32x79x128xi32, #tpu.memory_space<hbm>> -> memref<1x79x128xi32, #tpu.memory_space<hbm>>
      %dma_wait3A_53 = tpu.memref_squeeze %dma_wait3A_52 : memref<1x79x128xi32, #tpu.memory_space<hbm>> -> memref<79x128xi32, #tpu.memory_space<hbm>>
      %dma_wait3A_54 = arith.constant 0 : i32
      %dma_wait3A_55 = arith.constant 0 : i32
      %dma_wait3A_56 = tpu.memref_slice %arg4[%add3A, %dma_wait3A_54, %dma_wait3A_55] : memref<32x79x128xi32, #tpu.memory_space<hbm>> -> memref<1x79x128xi32, #tpu.memory_space<hbm>>
      %dma_wait3A_57 = tpu.memref_squeeze %dma_wait3A_56 : memref<1x79x128xi32, #tpu.memory_space<hbm>> -> memref<79x128xi32, #tpu.memory_space<hbm>>
      tpu.wait_dma2 semaphore(%run_scoped3A : memref<!tpu.dma_semaphore, #tpu.memory_space<semaphore_mem>>) src(%dma_wait3A_57 : memref<79x128xi32, #tpu.memory_space<hbm>>) dst(%arg8 : memref<79x128xi32, #tpu.memory_space<vmem>>)
      tpu.yield
    }) : () -> ()
    %mul3A_3 = arith.constant 640 : i32
    %mul3A_4 = arith.muli %arg1, %mul3A_3 : i32
    "tpu.region"() ({
      %run_scoped3A = tpu.sem_alloc : memref<!tpu.dma_semaphore, #tpu.memory_space<semaphore_mem>>
      %dma_start3A_42 = arith.constant 0 : i32
      %dma_start3A_43 = tpu.memref_slice %arg11[%mul3A_4, %dma_start3A_42] : memref<10240x64xf32, #tpu.memory_space<vmem_shared>> -> memref<640x64xf32, #tpu.memory_space<vmem_shared>>
      tpu.enqueue_dma source(%arg5 : memref<640x64xf32, #tpu.memory_space<hbm>>) target(%dma_start3A_43 : memref<640x64xf32, #tpu.memory_space<vmem_shared>>) target_semaphore(%run_scoped3A : memref<!tpu.dma_semaphore, #tpu.memory_space<semaphore_mem>>)
      %dma_wait3A_44 = arith.constant 0 : i32
      %dma_wait3A_45 = tpu.memref_slice %arg11[%mul3A_4, %dma_wait3A_44] : memref<10240x64xf32, #tpu.memory_space<vmem_shared>> -> memref<640x64xf32, #tpu.memory_space<vmem_shared>>
      tpu.wait_dma2 semaphore(%run_scoped3A : memref<!tpu.dma_semaphore, #tpu.memory_space<semaphore_mem>>) src(%arg5 : memref<640x64xf32, #tpu.memory_space<hbm>>) dst(%dma_wait3A_45 : memref<640x64xf32, #tpu.memory_space<vmem_shared>>)
      tpu.yield
    }) : () -> ()
    %barrier3A = arith.constant 0 : index
    tpu.barrier barrier_id(%barrier3A)
    %dma_start3A = arith.constant 0 : i32
    %dma_start3A_5 = tpu.memref_slice %arg7[%dma_start3A] : memref<10112xi32, #tpu.memory_space<vmem>> -> memref<128xi32, #tpu.memory_space<vmem>>
    %dma_start3A_6 = arith.constant 0 : i32
    %dma_start3A_7 = arith.constant 0 : i32
    %dma_start3A_8 = tpu.memref_slice %arg2[%dma_start3A_6, %dma_start3A_7] : memref<10000x64xf32, #tpu.memory_space<hbm>> -> memref<10000x64xf32, #tpu.memory_space<hbm>>
    tpu.enqueue_indirect_dma source(%dma_start3A_8 : memref<10000x64xf32, #tpu.memory_space<hbm>>) target(%arg9 : memref<128x64xf32, #tpu.memory_space<vmem>>) offsets(%dma_start3A_5 : memref<128xi32, #tpu.memory_space<vmem>>) semaphore(%arg12 : memref<!tpu.dma_semaphore, #tpu.memory_space<semaphore_mem>>)
    %dma_start3A_9 = arith.constant 128 : i32
    %dma_start3A_10 = tpu.memref_slice %arg7[%dma_start3A_9] : memref<10112xi32, #tpu.memory_space<vmem>> -> memref<128xi32, #tpu.memory_space<vmem>>
    %dma_start3A_11 = arith.constant 0 : i32
    %dma_start3A_12 = arith.constant 0 : i32
    %dma_start3A_13 = tpu.memref_slice %arg2[%dma_start3A_11, %dma_start3A_12] : memref<10000x64xf32, #tpu.memory_space<hbm>> -> memref<10000x64xf32, #tpu.memory_space<hbm>>
    tpu.enqueue_indirect_dma source(%dma_start3A_13 : memref<10000x64xf32, #tpu.memory_space<hbm>>) target(%arg10 : memref<128x64xf32, #tpu.memory_space<vmem>>) offsets(%dma_start3A_10 : memref<128xi32, #tpu.memory_space<vmem>>) semaphore(%arg13 : memref<!tpu.dma_semaphore, #tpu.memory_space<semaphore_mem>>)
    %scan3A = arith.constant 0 : i32
    %scan3A_14 = arith.constant 0 : i32
    %scan3A_15 = arith.constant 39 : i32
    %scan3A_16 = arith.addi %scan3A_14, %scan3A_15 : i32
    %scan3A_17 = arith.constant 1 : i32
    scf.for %scan3A_42 = %scan3A_14 to %scan3A_16 step %scan3A_17  : i32 {
      %mul3A_43 = arith.constant 2 : i32
      %mul3A_44 = arith.muli %mul3A_43, %scan3A_42 : i32
      %mul3A_45 = arith.constant 128 : i32
      %mul3A_46 = arith.muli %mul3A_44, %mul3A_45 : i32
      %dma_wait3A_47 = tpu.memref_slice %arg7[%mul3A_46] : memref<10112xi32, #tpu.memory_space<vmem>> -> memref<128xi32, #tpu.memory_space<vmem>>
      %dma_wait3A_48 = arith.constant 0 : i32
      %dma_wait3A_49 = arith.constant 0 : i32
      %dma_wait3A_50 = tpu.memref_slice %arg2[%dma_wait3A_48, %dma_wait3A_49] : memref<10000x64xf32, #tpu.memory_space<hbm>> -> memref<10000x64xf32, #tpu.memory_space<hbm>>
      tpu.wait_indirect_dma semaphore(%arg12 : memref<!tpu.dma_semaphore, #tpu.memory_space<semaphore_mem>>) src(%dma_wait3A_50 : memref<10000x64xf32, #tpu.memory_space<hbm>>) dst(%arg9 : memref<128x64xf32, #tpu.memory_space<vmem>>)
      %dma_start3A_51 = arith.constant 0 : i32
      %dma_start3A_52 = tpu.memref_slice %arg8[%mul3A_44, %dma_start3A_51] : memref<79x128xi32, #tpu.memory_space<vmem>> -> memref<1x128xi32, #tpu.memory_space<vmem>>
      %dma_start3A_53 = tpu.memref_squeeze %dma_start3A_52 : memref<1x128xi32, #tpu.memory_space<vmem>> -> memref<128xi32, #tpu.memory_space<vmem>>
      %dma_start3A_54 = arith.constant 0 : i32
      %dma_start3A_55 = arith.constant 0 : i32
      %dma_start3A_56 = tpu.memref_slice %arg11[%dma_start3A_54, %dma_start3A_55] : memref<10240x64xf32, #tpu.memory_space<vmem_shared>> -> memref<10240x64xf32, #tpu.memory_space<vmem_shared>>
      tpu.enqueue_indirect_dma source(%arg9 : memref<128x64xf32, #tpu.memory_space<vmem>>) target(%dma_start3A_56 : memref<10240x64xf32, #tpu.memory_space<vmem_shared>>) offsets(%dma_start3A_53 : memref<128xi32, #tpu.memory_space<vmem>>) semaphore(%arg14 : memref<!tpu.dma_semaphore, #tpu.memory_space<semaphore_mem>>) {add = true}
      %add3A_57 = arith.constant 1 : i32
      %add3A_58 = arith.addi %mul3A_44, %add3A_57 : i32
      %mul3A_59 = arith.constant 128 : i32
      %mul3A_60 = arith.muli %add3A_58, %mul3A_59 : i32
      %dma_wait3A_61 = tpu.memref_slice %arg7[%mul3A_60] : memref<10112xi32, #tpu.memory_space<vmem>> -> memref<128xi32, #tpu.memory_space<vmem>>
      %dma_wait3A_62 = arith.constant 0 : i32
      %dma_wait3A_63 = arith.constant 0 : i32
      %dma_wait3A_64 = tpu.memref_slice %arg2[%dma_wait3A_62, %dma_wait3A_63] : memref<10000x64xf32, #tpu.memory_space<hbm>> -> memref<10000x64xf32, #tpu.memory_space<hbm>>
      tpu.wait_indirect_dma semaphore(%arg13 : memref<!tpu.dma_semaphore, #tpu.memory_space<semaphore_mem>>) src(%dma_wait3A_64 : memref<10000x64xf32, #tpu.memory_space<hbm>>) dst(%arg10 : memref<128x64xf32, #tpu.memory_space<vmem>>)
      %add3A_65 = arith.constant 1 : i32
      %add3A_66 = arith.addi %mul3A_44, %add3A_65 : i32
      %dma_start3A_67 = arith.constant 0 : i32
      %dma_start3A_68 = tpu.memref_slice %arg8[%add3A_66, %dma_start3A_67] : memref<79x128xi32, #tpu.memory_space<vmem>> -> memref<1x128xi32, #tpu.memory_space<vmem>>
      %dma_start3A_69 = tpu.memref_squeeze %dma_start3A_68 : memref<1x128xi32, #tpu.memory_space<vmem>> -> memref<128xi32, #tpu.memory_space<vmem>>
      %dma_start3A_70 = arith.constant 0 : i32
      %dma_start3A_71 = arith.constant 0 : i32
      %dma_start3A_72 = tpu.memref_slice %arg11[%dma_start3A_70, %dma_start3A_71] : memref<10240x64xf32, #tpu.memory_space<vmem_shared>> -> memref<10240x64xf32, #tpu.memory_space<vmem_shared>>
      tpu.enqueue_indirect_dma source(%arg10 : memref<128x64xf32, #tpu.memory_space<vmem>>) target(%dma_start3A_72 : memref<10240x64xf32, #tpu.memory_space<vmem_shared>>) offsets(%dma_start3A_69 : memref<128xi32, #tpu.memory_space<vmem>>) semaphore(%arg15 : memref<!tpu.dma_semaphore, #tpu.memory_space<semaphore_mem>>) {add = true}
      %dma_wait3A_73 = arith.constant 0 : i32
      %dma_wait3A_74 = tpu.memref_slice %arg8[%mul3A_44, %dma_wait3A_73] : memref<79x128xi32, #tpu.memory_space<vmem>> -> memref<1x128xi32, #tpu.memory_space<vmem>>
      %dma_wait3A_75 = tpu.memref_squeeze %dma_wait3A_74 : memref<1x128xi32, #tpu.memory_space<vmem>> -> memref<128xi32, #tpu.memory_space<vmem>>
      %dma_wait3A_76 = arith.constant 0 : i32
      %dma_wait3A_77 = arith.constant 0 : i32
      %dma_wait3A_78 = tpu.memref_slice %arg11[%dma_wait3A_76, %dma_wait3A_77] : memref<10240x64xf32, #tpu.memory_space<vmem_shared>> -> memref<10240x64xf32, #tpu.memory_space<vmem_shared>>
      tpu.wait_indirect_dma semaphore(%arg14 : memref<!tpu.dma_semaphore, #tpu.memory_space<semaphore_mem>>) src(%arg9 : memref<128x64xf32, #tpu.memory_space<vmem>>) dst(%dma_wait3A_78 : memref<10240x64xf32, #tpu.memory_space<vmem_shared>>)
      %add3A_79 = arith.constant 2 : i32
      %add3A_80 = arith.addi %mul3A_44, %add3A_79 : i32
      %mul3A_81 = arith.constant 128 : i32
      %mul3A_82 = arith.muli %add3A_80, %mul3A_81 : i32
      %dma_start3A_83 = tpu.memref_slice %arg7[%mul3A_82] : memref<10112xi32, #tpu.memory_space<vmem>> -> memref<128xi32, #tpu.memory_space<vmem>>
      %dma_start3A_84 = arith.constant 0 : i32
      %dma_start3A_85 = arith.constant 0 : i32
      %dma_start3A_86 = tpu.memref_slice %arg2[%dma_start3A_84, %dma_start3A_85] : memref<10000x64xf32, #tpu.memory_space<hbm>> -> memref<10000x64xf32, #tpu.memory_space<hbm>>
      tpu.enqueue_indirect_dma source(%dma_start3A_86 : memref<10000x64xf32, #tpu.memory_space<hbm>>) target(%arg9 : memref<128x64xf32, #tpu.memory_space<vmem>>) offsets(%dma_start3A_83 : memref<128xi32, #tpu.memory_space<vmem>>) semaphore(%arg12 : memref<!tpu.dma_semaphore, #tpu.memory_space<semaphore_mem>>)
      %add3A_87 = arith.constant 1 : i32
      %add3A_88 = arith.addi %mul3A_44, %add3A_87 : i32
      %dma_wait3A_89 = arith.constant 0 : i32
      %dma_wait3A_90 = tpu.memref_slice %arg8[%add3A_88, %dma_wait3A_89] : memref<79x128xi32, #tpu.memory_space<vmem>> -> memref<1x128xi32, #tpu.memory_space<vmem>>
      %dma_wait3A_91 = tpu.memref_squeeze %dma_wait3A_90 : memref<1x128xi32, #tpu.memory_space<vmem>> -> memref<128xi32, #tpu.memory_space<vmem>>
      %dma_wait3A_92 = arith.constant 0 : i32
      %dma_wait3A_93 = arith.constant 0 : i32
      %dma_wait3A_94 = tpu.memref_slice %arg11[%dma_wait3A_92, %dma_wait3A_93] : memref<10240x64xf32, #tpu.memory_space<vmem_shared>> -> memref<10240x64xf32, #tpu.memory_space<vmem_shared>>
      tpu.wait_indirect_dma semaphore(%arg15 : memref<!tpu.dma_semaphore, #tpu.memory_space<semaphore_mem>>) src(%arg10 : memref<128x64xf32, #tpu.memory_space<vmem>>) dst(%dma_wait3A_94 : memref<10240x64xf32, #tpu.memory_space<vmem_shared>>)
      %add3A_95 = arith.constant 3 : i32
      %add3A_96 = arith.addi %mul3A_44, %add3A_95 : i32
      %lt3A = arith.constant 79 : i32
      %lt3A_97 = arith.cmpi slt, %add3A_96, %lt3A : i32
      %convert_element_type3A = arith.extui %lt3A_97 : i1 to i32
      %cond3A = arith.constant 0 : i32
      %cond3A_98 = arith.cmpi ne, %convert_element_type3A, %cond3A : i32
      scf.if %cond3A_98 {
        %add3A_99 = arith.constant 3 : i32
        %add3A_100 = arith.addi %mul3A_44, %add3A_99 : i32
        %mul3A_101 = arith.constant 128 : i32
        %mul3A_102 = arith.muli %add3A_100, %mul3A_101 : i32
        %dma_start3A_103 = tpu.memref_slice %arg7[%mul3A_102] : memref<10112xi32, #tpu.memory_space<vmem>> -> memref<128xi32, #tpu.memory_space<vmem>>
        %dma_start3A_104 = arith.constant 0 : i32
        %dma_start3A_105 = arith.constant 0 : i32
        %dma_start3A_106 = tpu.memref_slice %arg2[%dma_start3A_104, %dma_start3A_105] : memref<10000x64xf32, #tpu.memory_space<hbm>> -> memref<10000x64xf32, #tpu.memory_space<hbm>>
        tpu.enqueue_indirect_dma source(%dma_start3A_106 : memref<10000x64xf32, #tpu.memory_space<hbm>>) target(%arg10 : memref<128x64xf32, #tpu.memory_space<vmem>>) offsets(%dma_start3A_103 : memref<128xi32, #tpu.memory_space<vmem>>) semaphore(%arg13 : memref<!tpu.dma_semaphore, #tpu.memory_space<semaphore_mem>>)
      } else {
      }
    }
    %scan3A_18 = arith.constant 39 : i32
    %dma_wait3A = arith.constant 9984 : i32
    %dma_wait3A_19 = tpu.memref_slice %arg7[%dma_wait3A] : memref<10112xi32, #tpu.memory_space<vmem>> -> memref<128xi32, #tpu.memory_space<vmem>>
    %dma_wait3A_20 = arith.constant 0 : i32
    %dma_wait3A_21 = arith.constant 0 : i32
    %dma_wait3A_22 = tpu.memref_slice %arg2[%dma_wait3A_20, %dma_wait3A_21] : memref<10000x64xf32, #tpu.memory_space<hbm>> -> memref<10000x64xf32, #tpu.memory_space<hbm>>
    tpu.wait_indirect_dma semaphore(%arg12 : memref<!tpu.dma_semaphore, #tpu.memory_space<semaphore_mem>>) src(%dma_wait3A_22 : memref<10000x64xf32, #tpu.memory_space<hbm>>) dst(%arg9 : memref<128x64xf32, #tpu.memory_space<vmem>>)
    %dma_start3A_23 = arith.constant 78 : i32
    %dma_start3A_24 = arith.constant 0 : i32
    %dma_start3A_25 = tpu.memref_slice %arg8[%dma_start3A_23, %dma_start3A_24] : memref<79x128xi32, #tpu.memory_space<vmem>> -> memref<1x128xi32, #tpu.memory_space<vmem>>
    %dma_start3A_26 = tpu.memref_squeeze %dma_start3A_25 : memref<1x128xi32, #tpu.memory_space<vmem>> -> memref<128xi32, #tpu.memory_space<vmem>>
    %dma_start3A_27 = arith.constant 0 : i32
    %dma_start3A_28 = arith.constant 0 : i32
    %dma_start3A_29 = tpu.memref_slice %arg11[%dma_start3A_27, %dma_start3A_28] : memref<10240x64xf32, #tpu.memory_space<vmem_shared>> -> memref<10240x64xf32, #tpu.memory_space<vmem_shared>>
    tpu.enqueue_indirect_dma source(%arg9 : memref<128x64xf32, #tpu.memory_space<vmem>>) target(%dma_start3A_29 : memref<10240x64xf32, #tpu.memory_space<vmem_shared>>) offsets(%dma_start3A_26 : memref<128xi32, #tpu.memory_space<vmem>>) semaphore(%arg14 : memref<!tpu.dma_semaphore, #tpu.memory_space<semaphore_mem>>) {add = true}
    %dma_wait3A_30 = arith.constant 78 : i32
    %dma_wait3A_31 = arith.constant 0 : i32
    %dma_wait3A_32 = tpu.memref_slice %arg8[%dma_wait3A_30, %dma_wait3A_31] : memref<79x128xi32, #tpu.memory_space<vmem>> -> memref<1x128xi32, #tpu.memory_space<vmem>>
    %dma_wait3A_33 = tpu.memref_squeeze %dma_wait3A_32 : memref<1x128xi32, #tpu.memory_space<vmem>> -> memref<128xi32, #tpu.memory_space<vmem>>
    %dma_wait3A_34 = arith.constant 0 : i32
    %dma_wait3A_35 = arith.constant 0 : i32
    %dma_wait3A_36 = tpu.memref_slice %arg11[%dma_wait3A_34, %dma_wait3A_35] : memref<10240x64xf32, #tpu.memory_space<vmem_shared>> -> memref<10240x64xf32, #tpu.memory_space<vmem_shared>>
    tpu.wait_indirect_dma semaphore(%arg14 : memref<!tpu.dma_semaphore, #tpu.memory_space<semaphore_mem>>) src(%arg9 : memref<128x64xf32, #tpu.memory_space<vmem>>) dst(%dma_wait3A_36 : memref<10240x64xf32, #tpu.memory_space<vmem_shared>>)
    %barrier3A_37 = arith.constant 0 : index
    tpu.barrier barrier_id(%barrier3A_37)
    %mul3A_38 = arith.constant 640 : i32
    %mul3A_39 = arith.muli %arg1, %mul3A_38 : i32
    %mul3A_40 = arith.constant 640 : i32
    %mul3A_41 = arith.muli %arg1, %mul3A_40 : i32
    "tpu.region"() ({
      %run_scoped3A = tpu.sem_alloc : memref<!tpu.dma_semaphore, #tpu.memory_space<semaphore_mem>>
      %dma_start3A_42 = arith.constant 0 : i32
      %dma_start3A_43 = tpu.memref_slice %arg6[%arg0, %mul3A_41, %dma_start3A_42] : memref<2x10240x64xf32, #tpu.memory_space<hbm>> -> memref<1x640x64xf32, #tpu.memory_space<hbm>>
      %dma_start3A_44 = tpu.memref_squeeze %dma_start3A_43 : memref<1x640x64xf32, #tpu.memory_space<hbm>> -> memref<640x64xf32, #tpu.memory_space<hbm>>
      %dma_start3A_45 = arith.constant 0 : i32
      %dma_start3A_46 = tpu.memref_slice %arg11[%mul3A_39, %dma_start3A_45] : memref<10240x64xf32, #tpu.memory_space<vmem_shared>> -> memref<640x64xf32, #tpu.memory_space<vmem_shared>>
      tpu.enqueue_dma source(%dma_start3A_46 : memref<640x64xf32, #tpu.memory_space<vmem_shared>>) target(%dma_start3A_44 : memref<640x64xf32, #tpu.memory_space<hbm>>) target_semaphore(%run_scoped3A : memref<!tpu.dma_semaphore, #tpu.memory_space<semaphore_mem>>)
      %dma_wait3A_47 = arith.constant 0 : i32
      %dma_wait3A_48 = tpu.memref_slice %arg6[%arg0, %mul3A_41, %dma_wait3A_47] : memref<2x10240x64xf32, #tpu.memory_space<hbm>> -> memref<1x640x64xf32, #tpu.memory_space<hbm>>
      %dma_wait3A_49 = tpu.memref_squeeze %dma_wait3A_48 : memref<1x640x64xf32, #tpu.memory_space<hbm>> -> memref<640x64xf32, #tpu.memory_space<hbm>>
      %dma_wait3A_50 = arith.constant 0 : i32
      %dma_wait3A_51 = tpu.memref_slice %arg11[%mul3A_39, %dma_wait3A_50] : memref<10240x64xf32, #tpu.memory_space<vmem_shared>> -> memref<640x64xf32, #tpu.memory_space<vmem_shared>>
      tpu.wait_dma2 semaphore(%run_scoped3A : memref<!tpu.dma_semaphore, #tpu.memory_space<semaphore_mem>>) src(%dma_wait3A_51 : memref<640x64xf32, #tpu.memory_space<vmem_shared>>) dst(%dma_wait3A_49 : memref<640x64xf32, #tpu.memory_space<hbm>>)
      tpu.yield
    }) : () -> ()
    return
  }
}

#map = affine_map<(d0, d1) -> (0, 0)>
#map1 = affine_map<(d0, d1) -> (0)>
#map2 = affine_map<(d0, d1) -> (0, 0, 0)>
module attributes {stable_mosaic.version = 14 : i64} {
  func.func @body(%arg0: i32, %arg1: i32, %arg2: memref<10000x128xf32, #tpu.memory_space<hbm>>, %arg3: memref<320000xi32, #tpu.memory_space<hbm>>, %arg4: memref<32x125x80xi32, #tpu.memory_space<hbm>>, %arg5: memref<640x128xf32, #tpu.memory_space<hbm>>, %arg6: memref<2x10240x128xf32, #tpu.memory_space<hbm>>, %arg7: memref<10000xi32, #tpu.memory_space<vmem>>, %arg8: memref<125x80xi32, #tpu.memory_space<vmem>>, %arg9: memref<80x128xf32, #tpu.memory_space<vmem>>, %arg10: memref<80x128xf32, #tpu.memory_space<vmem>>, %arg11: memref<10240x128xf32, #tpu.memory_space<vmem_shared>>, %arg12: memref<!tpu.dma_semaphore, #tpu.memory_space<semaphore_mem>>, %arg13: memref<!tpu.dma_semaphore, #tpu.memory_space<semaphore_mem>>, %arg14: memref<!tpu.dma_semaphore, #tpu.memory_space<semaphore_mem>>, %arg15: memref<!tpu.dma_semaphore, #tpu.memory_space<semaphore_mem>>) attributes {dimension_semantics = [#tpu.dimension_semantics<core_parallel>, #tpu.dimension_semantics<subcore_parallel>], iteration_bounds = array<i64: 2, 16>, scalar_prefetch = 0 : i64, scratch_operands = 9 : i64, tpu.core_type = #tpu.core_type<sc_vector_subcore>, window_params = [{transform_indices = #map}, {transform_indices = #map1}, {transform_indices = #map2}, {transform_indices = #map}, {transform_indices = #map2}]} {
    %mul3A = arith.constant 2 : i32
    %mul3A_0 = arith.muli %arg1, %mul3A : i32
    %add3A = arith.addi %mul3A_0, %arg0 : i32
    %mul3A_1 = arith.constant 10000 : i32
    %mul3A_2 = arith.muli %add3A, %mul3A_1 : i32
    "tpu.region"() ({
      %run_scoped3A = tpu.sem_alloc : memref<!tpu.dma_semaphore, #tpu.memory_space<semaphore_mem>>
      %dma_start3A_42 = tpu.memref_slice %arg3[%mul3A_2] : memref<320000xi32, #tpu.memory_space<hbm>> -> memref<10000xi32, #tpu.memory_space<hbm>>
      %dma_start3A_43 = tpu.memref_slice %arg3[%mul3A_2] : memref<320000xi32, #tpu.memory_space<hbm>> -> memref<10000xi32, #tpu.memory_space<hbm>>
      tpu.enqueue_dma source(%dma_start3A_43 : memref<10000xi32, #tpu.memory_space<hbm>>) target(%arg7 : memref<10000xi32, #tpu.memory_space<vmem>>) target_semaphore(%run_scoped3A : memref<!tpu.dma_semaphore, #tpu.memory_space<semaphore_mem>>)
      %dma_wait3A_44 = tpu.memref_slice %arg3[%mul3A_2] : memref<320000xi32, #tpu.memory_space<hbm>> -> memref<10000xi32, #tpu.memory_space<hbm>>
      %dma_wait3A_45 = tpu.memref_slice %arg3[%mul3A_2] : memref<320000xi32, #tpu.memory_space<hbm>> -> memref<10000xi32, #tpu.memory_space<hbm>>
      tpu.wait_dma2 semaphore(%run_scoped3A : memref<!tpu.dma_semaphore, #tpu.memory_space<semaphore_mem>>) src(%dma_wait3A_45 : memref<10000xi32, #tpu.memory_space<hbm>>) dst(%arg7 : memref<10000xi32, #tpu.memory_space<vmem>>)
      tpu.yield
    }) : () -> ()
    "tpu.region"() ({
      %run_scoped3A = tpu.sem_alloc : memref<!tpu.dma_semaphore, #tpu.memory_space<semaphore_mem>>
      %dma_start3A_42 = arith.constant 0 : i32
      %dma_start3A_43 = arith.constant 0 : i32
      %dma_start3A_44 = tpu.memref_slice %arg4[%add3A, %dma_start3A_42, %dma_start3A_43] : memref<32x125x80xi32, #tpu.memory_space<hbm>> -> memref<1x125x80xi32, #tpu.memory_space<hbm>>
      %dma_start3A_45 = tpu.memref_squeeze %dma_start3A_44 : memref<1x125x80xi32, #tpu.memory_space<hbm>> -> memref<125x80xi32, #tpu.memory_space<hbm>>
      %dma_start3A_46 = arith.constant 0 : i32
      %dma_start3A_47 = arith.constant 0 : i32
      %dma_start3A_48 = tpu.memref_slice %arg4[%add3A, %dma_start3A_46, %dma_start3A_47] : memref<32x125x80xi32, #tpu.memory_space<hbm>> -> memref<1x125x80xi32, #tpu.memory_space<hbm>>
      %dma_start3A_49 = tpu.memref_squeeze %dma_start3A_48 : memref<1x125x80xi32, #tpu.memory_space<hbm>> -> memref<125x80xi32, #tpu.memory_space<hbm>>
      tpu.enqueue_dma source(%dma_start3A_49 : memref<125x80xi32, #tpu.memory_space<hbm>>) target(%arg8 : memref<125x80xi32, #tpu.memory_space<vmem>>) target_semaphore(%run_scoped3A : memref<!tpu.dma_semaphore, #tpu.memory_space<semaphore_mem>>)
      %dma_wait3A_50 = arith.constant 0 : i32
      %dma_wait3A_51 = arith.constant 0 : i32
      %dma_wait3A_52 = tpu.memref_slice %arg4[%add3A, %dma_wait3A_50, %dma_wait3A_51] : memref<32x125x80xi32, #tpu.memory_space<hbm>> -> memref<1x125x80xi32, #tpu.memory_space<hbm>>
      %dma_wait3A_53 = tpu.memref_squeeze %dma_wait3A_52 : memref<1x125x80xi32, #tpu.memory_space<hbm>> -> memref<125x80xi32, #tpu.memory_space<hbm>>
      %dma_wait3A_54 = arith.constant 0 : i32
      %dma_wait3A_55 = arith.constant 0 : i32
      %dma_wait3A_56 = tpu.memref_slice %arg4[%add3A, %dma_wait3A_54, %dma_wait3A_55] : memref<32x125x80xi32, #tpu.memory_space<hbm>> -> memref<1x125x80xi32, #tpu.memory_space<hbm>>
      %dma_wait3A_57 = tpu.memref_squeeze %dma_wait3A_56 : memref<1x125x80xi32, #tpu.memory_space<hbm>> -> memref<125x80xi32, #tpu.memory_space<hbm>>
      tpu.wait_dma2 semaphore(%run_scoped3A : memref<!tpu.dma_semaphore, #tpu.memory_space<semaphore_mem>>) src(%dma_wait3A_57 : memref<125x80xi32, #tpu.memory_space<hbm>>) dst(%arg8 : memref<125x80xi32, #tpu.memory_space<vmem>>)
      tpu.yield
    }) : () -> ()
    %mul3A_3 = arith.constant 640 : i32
    %mul3A_4 = arith.muli %arg1, %mul3A_3 : i32
    "tpu.region"() ({
      %run_scoped3A = tpu.sem_alloc : memref<!tpu.dma_semaphore, #tpu.memory_space<semaphore_mem>>
      %dma_start3A_42 = arith.constant 0 : i32
      %dma_start3A_43 = tpu.memref_slice %arg11[%mul3A_4, %dma_start3A_42] : memref<10240x128xf32, #tpu.memory_space<vmem_shared>> -> memref<640x128xf32, #tpu.memory_space<vmem_shared>>
      tpu.enqueue_dma source(%arg5 : memref<640x128xf32, #tpu.memory_space<hbm>>) target(%dma_start3A_43 : memref<640x128xf32, #tpu.memory_space<vmem_shared>>) target_semaphore(%run_scoped3A : memref<!tpu.dma_semaphore, #tpu.memory_space<semaphore_mem>>)
      %dma_wait3A_44 = arith.constant 0 : i32
      %dma_wait3A_45 = tpu.memref_slice %arg11[%mul3A_4, %dma_wait3A_44] : memref<10240x128xf32, #tpu.memory_space<vmem_shared>> -> memref<640x128xf32, #tpu.memory_space<vmem_shared>>
      tpu.wait_dma2 semaphore(%run_scoped3A : memref<!tpu.dma_semaphore, #tpu.memory_space<semaphore_mem>>) src(%arg5 : memref<640x128xf32, #tpu.memory_space<hbm>>) dst(%dma_wait3A_45 : memref<640x128xf32, #tpu.memory_space<vmem_shared>>)
      tpu.yield
    }) : () -> ()
    %barrier3A = arith.constant 0 : index
    tpu.barrier barrier_id(%barrier3A)
    %dma_start3A = arith.constant 0 : i32
    %dma_start3A_5 = tpu.memref_slice %arg7[%dma_start3A] : memref<10000xi32, #tpu.memory_space<vmem>> -> memref<80xi32, #tpu.memory_space<vmem>>
    %dma_start3A_6 = arith.constant 0 : i32
    %dma_start3A_7 = arith.constant 0 : i32
    %dma_start3A_8 = tpu.memref_slice %arg2[%dma_start3A_6, %dma_start3A_7] : memref<10000x128xf32, #tpu.memory_space<hbm>> -> memref<10000x128xf32, #tpu.memory_space<hbm>>
    tpu.enqueue_indirect_dma source(%dma_start3A_8 : memref<10000x128xf32, #tpu.memory_space<hbm>>) target(%arg9 : memref<80x128xf32, #tpu.memory_space<vmem>>) offsets(%dma_start3A_5 : memref<80xi32, #tpu.memory_space<vmem>>) semaphore(%arg12 : memref<!tpu.dma_semaphore, #tpu.memory_space<semaphore_mem>>)
    %dma_start3A_9 = arith.constant 80 : i32
    %dma_start3A_10 = tpu.memref_slice %arg7[%dma_start3A_9] : memref<10000xi32, #tpu.memory_space<vmem>> -> memref<80xi32, #tpu.memory_space<vmem>>
    %dma_start3A_11 = arith.constant 0 : i32
    %dma_start3A_12 = arith.constant 0 : i32
    %dma_start3A_13 = tpu.memref_slice %arg2[%dma_start3A_11, %dma_start3A_12] : memref<10000x128xf32, #tpu.memory_space<hbm>> -> memref<10000x128xf32, #tpu.memory_space<hbm>>
    tpu.enqueue_indirect_dma source(%dma_start3A_13 : memref<10000x128xf32, #tpu.memory_space<hbm>>) target(%arg10 : memref<80x128xf32, #tpu.memory_space<vmem>>) offsets(%dma_start3A_10 : memref<80xi32, #tpu.memory_space<vmem>>) semaphore(%arg13 : memref<!tpu.dma_semaphore, #tpu.memory_space<semaphore_mem>>)
    %scan3A = arith.constant 0 : i32
    %scan3A_14 = arith.constant 0 : i32
    %scan3A_15 = arith.constant 62 : i32
    %scan3A_16 = arith.addi %scan3A_14, %scan3A_15 : i32
    %scan3A_17 = arith.constant 1 : i32
    scf.for %scan3A_42 = %scan3A_14 to %scan3A_16 step %scan3A_17  : i32 {
      %mul3A_43 = arith.constant 2 : i32
      %mul3A_44 = arith.muli %mul3A_43, %scan3A_42 : i32
      %mul3A_45 = arith.constant 80 : i32
      %mul3A_46 = arith.muli %mul3A_44, %mul3A_45 : i32
      %dma_wait3A_47 = tpu.memref_slice %arg7[%mul3A_46] : memref<10000xi32, #tpu.memory_space<vmem>> -> memref<80xi32, #tpu.memory_space<vmem>>
      %dma_wait3A_48 = arith.constant 0 : i32
      %dma_wait3A_49 = arith.constant 0 : i32
      %dma_wait3A_50 = tpu.memref_slice %arg2[%dma_wait3A_48, %dma_wait3A_49] : memref<10000x128xf32, #tpu.memory_space<hbm>> -> memref<10000x128xf32, #tpu.memory_space<hbm>>
      tpu.wait_indirect_dma semaphore(%arg12 : memref<!tpu.dma_semaphore, #tpu.memory_space<semaphore_mem>>) src(%dma_wait3A_50 : memref<10000x128xf32, #tpu.memory_space<hbm>>) dst(%arg9 : memref<80x128xf32, #tpu.memory_space<vmem>>)
      %dma_start3A_51 = arith.constant 0 : i32
      %dma_start3A_52 = tpu.memref_slice %arg8[%mul3A_44, %dma_start3A_51] : memref<125x80xi32, #tpu.memory_space<vmem>> -> memref<1x80xi32, #tpu.memory_space<vmem>>
      %dma_start3A_53 = tpu.memref_squeeze %dma_start3A_52 : memref<1x80xi32, #tpu.memory_space<vmem>> -> memref<80xi32, #tpu.memory_space<vmem>>
      %dma_start3A_54 = arith.constant 0 : i32
      %dma_start3A_55 = arith.constant 0 : i32
      %dma_start3A_56 = tpu.memref_slice %arg11[%dma_start3A_54, %dma_start3A_55] : memref<10240x128xf32, #tpu.memory_space<vmem_shared>> -> memref<10240x128xf32, #tpu.memory_space<vmem_shared>>
      tpu.enqueue_indirect_dma source(%arg9 : memref<80x128xf32, #tpu.memory_space<vmem>>) target(%dma_start3A_56 : memref<10240x128xf32, #tpu.memory_space<vmem_shared>>) offsets(%dma_start3A_53 : memref<80xi32, #tpu.memory_space<vmem>>) semaphore(%arg14 : memref<!tpu.dma_semaphore, #tpu.memory_space<semaphore_mem>>) {add = true}
      %add3A_57 = arith.constant 1 : i32
      %add3A_58 = arith.addi %mul3A_44, %add3A_57 : i32
      %mul3A_59 = arith.constant 80 : i32
      %mul3A_60 = arith.muli %add3A_58, %mul3A_59 : i32
      %dma_wait3A_61 = tpu.memref_slice %arg7[%mul3A_60] : memref<10000xi32, #tpu.memory_space<vmem>> -> memref<80xi32, #tpu.memory_space<vmem>>
      %dma_wait3A_62 = arith.constant 0 : i32
      %dma_wait3A_63 = arith.constant 0 : i32
      %dma_wait3A_64 = tpu.memref_slice %arg2[%dma_wait3A_62, %dma_wait3A_63] : memref<10000x128xf32, #tpu.memory_space<hbm>> -> memref<10000x128xf32, #tpu.memory_space<hbm>>
      tpu.wait_indirect_dma semaphore(%arg13 : memref<!tpu.dma_semaphore, #tpu.memory_space<semaphore_mem>>) src(%dma_wait3A_64 : memref<10000x128xf32, #tpu.memory_space<hbm>>) dst(%arg10 : memref<80x128xf32, #tpu.memory_space<vmem>>)
      %add3A_65 = arith.constant 1 : i32
      %add3A_66 = arith.addi %mul3A_44, %add3A_65 : i32
      %dma_start3A_67 = arith.constant 0 : i32
      %dma_start3A_68 = tpu.memref_slice %arg8[%add3A_66, %dma_start3A_67] : memref<125x80xi32, #tpu.memory_space<vmem>> -> memref<1x80xi32, #tpu.memory_space<vmem>>
      %dma_start3A_69 = tpu.memref_squeeze %dma_start3A_68 : memref<1x80xi32, #tpu.memory_space<vmem>> -> memref<80xi32, #tpu.memory_space<vmem>>
      %dma_start3A_70 = arith.constant 0 : i32
      %dma_start3A_71 = arith.constant 0 : i32
      %dma_start3A_72 = tpu.memref_slice %arg11[%dma_start3A_70, %dma_start3A_71] : memref<10240x128xf32, #tpu.memory_space<vmem_shared>> -> memref<10240x128xf32, #tpu.memory_space<vmem_shared>>
      tpu.enqueue_indirect_dma source(%arg10 : memref<80x128xf32, #tpu.memory_space<vmem>>) target(%dma_start3A_72 : memref<10240x128xf32, #tpu.memory_space<vmem_shared>>) offsets(%dma_start3A_69 : memref<80xi32, #tpu.memory_space<vmem>>) semaphore(%arg15 : memref<!tpu.dma_semaphore, #tpu.memory_space<semaphore_mem>>) {add = true}
      %dma_wait3A_73 = arith.constant 0 : i32
      %dma_wait3A_74 = tpu.memref_slice %arg8[%mul3A_44, %dma_wait3A_73] : memref<125x80xi32, #tpu.memory_space<vmem>> -> memref<1x80xi32, #tpu.memory_space<vmem>>
      %dma_wait3A_75 = tpu.memref_squeeze %dma_wait3A_74 : memref<1x80xi32, #tpu.memory_space<vmem>> -> memref<80xi32, #tpu.memory_space<vmem>>
      %dma_wait3A_76 = arith.constant 0 : i32
      %dma_wait3A_77 = arith.constant 0 : i32
      %dma_wait3A_78 = tpu.memref_slice %arg11[%dma_wait3A_76, %dma_wait3A_77] : memref<10240x128xf32, #tpu.memory_space<vmem_shared>> -> memref<10240x128xf32, #tpu.memory_space<vmem_shared>>
      tpu.wait_indirect_dma semaphore(%arg14 : memref<!tpu.dma_semaphore, #tpu.memory_space<semaphore_mem>>) src(%arg9 : memref<80x128xf32, #tpu.memory_space<vmem>>) dst(%dma_wait3A_78 : memref<10240x128xf32, #tpu.memory_space<vmem_shared>>)
      %add3A_79 = arith.constant 2 : i32
      %add3A_80 = arith.addi %mul3A_44, %add3A_79 : i32
      %mul3A_81 = arith.constant 80 : i32
      %mul3A_82 = arith.muli %add3A_80, %mul3A_81 : i32
      %dma_start3A_83 = tpu.memref_slice %arg7[%mul3A_82] : memref<10000xi32, #tpu.memory_space<vmem>> -> memref<80xi32, #tpu.memory_space<vmem>>
      %dma_start3A_84 = arith.constant 0 : i32
      %dma_start3A_85 = arith.constant 0 : i32
      %dma_start3A_86 = tpu.memref_slice %arg2[%dma_start3A_84, %dma_start3A_85] : memref<10000x128xf32, #tpu.memory_space<hbm>> -> memref<10000x128xf32, #tpu.memory_space<hbm>>
      tpu.enqueue_indirect_dma source(%dma_start3A_86 : memref<10000x128xf32, #tpu.memory_space<hbm>>) target(%arg9 : memref<80x128xf32, #tpu.memory_space<vmem>>) offsets(%dma_start3A_83 : memref<80xi32, #tpu.memory_space<vmem>>) semaphore(%arg12 : memref<!tpu.dma_semaphore, #tpu.memory_space<semaphore_mem>>)
      %add3A_87 = arith.constant 1 : i32
      %add3A_88 = arith.addi %mul3A_44, %add3A_87 : i32
      %dma_wait3A_89 = arith.constant 0 : i32
      %dma_wait3A_90 = tpu.memref_slice %arg8[%add3A_88, %dma_wait3A_89] : memref<125x80xi32, #tpu.memory_space<vmem>> -> memref<1x80xi32, #tpu.memory_space<vmem>>
      %dma_wait3A_91 = tpu.memref_squeeze %dma_wait3A_90 : memref<1x80xi32, #tpu.memory_space<vmem>> -> memref<80xi32, #tpu.memory_space<vmem>>
      %dma_wait3A_92 = arith.constant 0 : i32
      %dma_wait3A_93 = arith.constant 0 : i32
      %dma_wait3A_94 = tpu.memref_slice %arg11[%dma_wait3A_92, %dma_wait3A_93] : memref<10240x128xf32, #tpu.memory_space<vmem_shared>> -> memref<10240x128xf32, #tpu.memory_space<vmem_shared>>
      tpu.wait_indirect_dma semaphore(%arg15 : memref<!tpu.dma_semaphore, #tpu.memory_space<semaphore_mem>>) src(%arg10 : memref<80x128xf32, #tpu.memory_space<vmem>>) dst(%dma_wait3A_94 : memref<10240x128xf32, #tpu.memory_space<vmem_shared>>)
      %add3A_95 = arith.constant 3 : i32
      %add3A_96 = arith.addi %mul3A_44, %add3A_95 : i32
      %lt3A = arith.constant 125 : i32
      %lt3A_97 = arith.cmpi slt, %add3A_96, %lt3A : i32
      %convert_element_type3A = arith.extui %lt3A_97 : i1 to i32
      %cond3A = arith.constant 0 : i32
      %cond3A_98 = arith.cmpi ne, %convert_element_type3A, %cond3A : i32
      scf.if %cond3A_98 {
        %add3A_99 = arith.constant 3 : i32
        %add3A_100 = arith.addi %mul3A_44, %add3A_99 : i32
        %mul3A_101 = arith.constant 80 : i32
        %mul3A_102 = arith.muli %add3A_100, %mul3A_101 : i32
        %dma_start3A_103 = tpu.memref_slice %arg7[%mul3A_102] : memref<10000xi32, #tpu.memory_space<vmem>> -> memref<80xi32, #tpu.memory_space<vmem>>
        %dma_start3A_104 = arith.constant 0 : i32
        %dma_start3A_105 = arith.constant 0 : i32
        %dma_start3A_106 = tpu.memref_slice %arg2[%dma_start3A_104, %dma_start3A_105] : memref<10000x128xf32, #tpu.memory_space<hbm>> -> memref<10000x128xf32, #tpu.memory_space<hbm>>
        tpu.enqueue_indirect_dma source(%dma_start3A_106 : memref<10000x128xf32, #tpu.memory_space<hbm>>) target(%arg10 : memref<80x128xf32, #tpu.memory_space<vmem>>) offsets(%dma_start3A_103 : memref<80xi32, #tpu.memory_space<vmem>>) semaphore(%arg13 : memref<!tpu.dma_semaphore, #tpu.memory_space<semaphore_mem>>)
      } else {
      }
    }
    %scan3A_18 = arith.constant 62 : i32
    %dma_wait3A = arith.constant 9920 : i32
    %dma_wait3A_19 = tpu.memref_slice %arg7[%dma_wait3A] : memref<10000xi32, #tpu.memory_space<vmem>> -> memref<80xi32, #tpu.memory_space<vmem>>
    %dma_wait3A_20 = arith.constant 0 : i32
    %dma_wait3A_21 = arith.constant 0 : i32
    %dma_wait3A_22 = tpu.memref_slice %arg2[%dma_wait3A_20, %dma_wait3A_21] : memref<10000x128xf32, #tpu.memory_space<hbm>> -> memref<10000x128xf32, #tpu.memory_space<hbm>>
    tpu.wait_indirect_dma semaphore(%arg12 : memref<!tpu.dma_semaphore, #tpu.memory_space<semaphore_mem>>) src(%dma_wait3A_22 : memref<10000x128xf32, #tpu.memory_space<hbm>>) dst(%arg9 : memref<80x128xf32, #tpu.memory_space<vmem>>)
    %dma_start3A_23 = arith.constant 124 : i32
    %dma_start3A_24 = arith.constant 0 : i32
    %dma_start3A_25 = tpu.memref_slice %arg8[%dma_start3A_23, %dma_start3A_24] : memref<125x80xi32, #tpu.memory_space<vmem>> -> memref<1x80xi32, #tpu.memory_space<vmem>>
    %dma_start3A_26 = tpu.memref_squeeze %dma_start3A_25 : memref<1x80xi32, #tpu.memory_space<vmem>> -> memref<80xi32, #tpu.memory_space<vmem>>
    %dma_start3A_27 = arith.constant 0 : i32
    %dma_start3A_28 = arith.constant 0 : i32
    %dma_start3A_29 = tpu.memref_slice %arg11[%dma_start3A_27, %dma_start3A_28] : memref<10240x128xf32, #tpu.memory_space<vmem_shared>> -> memref<10240x128xf32, #tpu.memory_space<vmem_shared>>
    tpu.enqueue_indirect_dma source(%arg9 : memref<80x128xf32, #tpu.memory_space<vmem>>) target(%dma_start3A_29 : memref<10240x128xf32, #tpu.memory_space<vmem_shared>>) offsets(%dma_start3A_26 : memref<80xi32, #tpu.memory_space<vmem>>) semaphore(%arg14 : memref<!tpu.dma_semaphore, #tpu.memory_space<semaphore_mem>>) {add = true}
    %dma_wait3A_30 = arith.constant 124 : i32
    %dma_wait3A_31 = arith.constant 0 : i32
    %dma_wait3A_32 = tpu.memref_slice %arg8[%dma_wait3A_30, %dma_wait3A_31] : memref<125x80xi32, #tpu.memory_space<vmem>> -> memref<1x80xi32, #tpu.memory_space<vmem>>
    %dma_wait3A_33 = tpu.memref_squeeze %dma_wait3A_32 : memref<1x80xi32, #tpu.memory_space<vmem>> -> memref<80xi32, #tpu.memory_space<vmem>>
    %dma_wait3A_34 = arith.constant 0 : i32
    %dma_wait3A_35 = arith.constant 0 : i32
    %dma_wait3A_36 = tpu.memref_slice %arg11[%dma_wait3A_34, %dma_wait3A_35] : memref<10240x128xf32, #tpu.memory_space<vmem_shared>> -> memref<10240x128xf32, #tpu.memory_space<vmem_shared>>
    tpu.wait_indirect_dma semaphore(%arg14 : memref<!tpu.dma_semaphore, #tpu.memory_space<semaphore_mem>>) src(%arg9 : memref<80x128xf32, #tpu.memory_space<vmem>>) dst(%dma_wait3A_36 : memref<10240x128xf32, #tpu.memory_space<vmem_shared>>)
    %barrier3A_37 = arith.constant 0 : index
    tpu.barrier barrier_id(%barrier3A_37)
    %mul3A_38 = arith.constant 640 : i32
    %mul3A_39 = arith.muli %arg1, %mul3A_38 : i32
    %mul3A_40 = arith.constant 640 : i32
    %mul3A_41 = arith.muli %arg1, %mul3A_40 : i32
    "tpu.region"() ({
      %run_scoped3A = tpu.sem_alloc : memref<!tpu.dma_semaphore, #tpu.memory_space<semaphore_mem>>
      %dma_start3A_42 = arith.constant 0 : i32
      %dma_start3A_43 = tpu.memref_slice %arg6[%arg0, %mul3A_41, %dma_start3A_42] : memref<2x10240x128xf32, #tpu.memory_space<hbm>> -> memref<1x640x128xf32, #tpu.memory_space<hbm>>
      %dma_start3A_44 = tpu.memref_squeeze %dma_start3A_43 : memref<1x640x128xf32, #tpu.memory_space<hbm>> -> memref<640x128xf32, #tpu.memory_space<hbm>>
      %dma_start3A_45 = arith.constant 0 : i32
      %dma_start3A_46 = tpu.memref_slice %arg11[%mul3A_39, %dma_start3A_45] : memref<10240x128xf32, #tpu.memory_space<vmem_shared>> -> memref<640x128xf32, #tpu.memory_space<vmem_shared>>
      tpu.enqueue_dma source(%dma_start3A_46 : memref<640x128xf32, #tpu.memory_space<vmem_shared>>) target(%dma_start3A_44 : memref<640x128xf32, #tpu.memory_space<hbm>>) target_semaphore(%run_scoped3A : memref<!tpu.dma_semaphore, #tpu.memory_space<semaphore_mem>>)
      %dma_wait3A_47 = arith.constant 0 : i32
      %dma_wait3A_48 = tpu.memref_slice %arg6[%arg0, %mul3A_41, %dma_wait3A_47] : memref<2x10240x128xf32, #tpu.memory_space<hbm>> -> memref<1x640x128xf32, #tpu.memory_space<hbm>>
      %dma_wait3A_49 = tpu.memref_squeeze %dma_wait3A_48 : memref<1x640x128xf32, #tpu.memory_space<hbm>> -> memref<640x128xf32, #tpu.memory_space<hbm>>
      %dma_wait3A_50 = arith.constant 0 : i32
      %dma_wait3A_51 = tpu.memref_slice %arg11[%mul3A_39, %dma_wait3A_50] : memref<10240x128xf32, #tpu.memory_space<vmem_shared>> -> memref<640x128xf32, #tpu.memory_space<vmem_shared>>
      tpu.wait_dma2 semaphore(%run_scoped3A : memref<!tpu.dma_semaphore, #tpu.memory_space<semaphore_mem>>) src(%dma_wait3A_51 : memref<640x128xf32, #tpu.memory_space<vmem_shared>>) dst(%dma_wait3A_49 : memref<640x128xf32, #tpu.memory_space<hbm>>)
      tpu.yield
    }) : () -> ()
    return
  }
}

module attributes {stable_mosaic.version = 14 : i64} {
  func.func @body(%arg0: i32, %arg1: memref<1000x128xf32, #tpu.memory_space<vmem>>, %arg2: memref<128x128xf32, #tpu.memory_space<vmem>>, %arg3: memref<2x1000x16xf32, #tpu.memory_space<vmem>>, %arg4: memref<1000x128xf32, #tpu.memory_space<vmem>>, %arg5: memref<1000x8xf32, #tpu.memory_space<vmem>>) attributes {dimension_semantics = [#tpu.dimension_semantics<arbitrary>], iteration_bounds = array<i64: 10>, scalar_prefetch = 0 : i64, scratch_operands = 0 : i64, tpu.core_type = #tpu.core_type<tc>, window_params = [{transform_indices = @transform_0, window_bounds = array<i64: 1000, 128>}, {pipeline_mode = #tpu.pipeline_mode<synchronous>, transform_indices = @transform_1, window_bounds = array<i64: 128, 128>}, {transform_indices = @transform_2, window_bounds = array<i64: 2, 1000, 16>}, {transform_indices = @transform_3, window_bounds = array<i64: 1000, 128>}, {transform_indices = @transform_4, window_bounds = array<i64: 1000, 8>}]} {
    %get3A = arith.constant 0 : index
    %get3A_0 = arith.constant 0 : index
    %get3A_1 = arith.constant 0 : index
    %get3A_2 = vector.load %arg3[%get3A, %get3A_0, %get3A_1] : memref<2x1000x16xf32, #tpu.memory_space<vmem>>, vector<1x1000x1xf32>
    %get3A_3 = vector.shape_cast %get3A_2 : vector<1x1000x1xf32> to vector<1000x1xf32>
    %get3A_4 = arith.constant 1 : index
    %get3A_5 = arith.constant 0 : index
    %get3A_6 = arith.constant 0 : index
    %get3A_7 = vector.load %arg3[%get3A_4, %get3A_5, %get3A_6] : memref<2x1000x16xf32, #tpu.memory_space<vmem>>, vector<1x1000x1xf32>
    %get3A_8 = vector.shape_cast %get3A_7 : vector<1x1000x1xf32> to vector<1000x1xf32>
    %add3A = arith.addf %get3A_3, %get3A_8 : vector<1000x1xf32>
    %add3A_9 = arith.constant 1.000000e+00 : f32
    %add3A_10 = vector.broadcast %add3A_9 : f32 to vector<1000x1xf32>
    %add3A_11 = arith.addf %add3A, %add3A_10 : vector<1000x1xf32>
    %rsqrt3A = math.rsqrt %add3A_11 : vector<1000x1xf32>
    %get3A_12 = arith.constant 0 : index
    %get3A_13 = arith.constant 0 : index
    %get3A_14 = vector.load %arg1[%get3A_12, %get3A_13] : memref<1000x128xf32, #tpu.memory_space<vmem>>, vector<1000x128xf32>
    %get3A_15 = arith.constant 0 : index
    %get3A_16 = arith.constant 0 : index
    %get3A_17 = vector.load %arg2[%get3A_15, %get3A_16] : memref<128x128xf32, #tpu.memory_space<vmem>>, vector<128x128xf32>
    %dot_general3A = arith.constant dense<0.000000e+00> : vector<1000x128xf32>
    %dot_general3A_18 = tpu.matmul %get3A_14, %get3A_17, %dot_general3A {dimension_numbers = #tpu.dot_dimension_numbers<[1], [0], [0], [1], [0, 0, 1, 1], [], []>, precision = #tpu.contract_precision<fp32>, transpose_lhs_hint = false} : vector<1000x128xf32>, vector<128x128xf32>, vector<1000x128xf32> -> vector<1000x128xf32>
    %mul3A = vector.broadcast %rsqrt3A : vector<1000x1xf32> to vector<1000x128xf32>
    %mul3A_19 = arith.mulf %dot_general3A_18, %mul3A : vector<1000x128xf32>
    %swap3A = arith.constant 0 : index
    %swap3A_20 = arith.constant 0 : index
    %swap3A_21 = vector.load %arg4[%swap3A, %swap3A_20] : memref<1000x128xf32, #tpu.memory_space<vmem>>, vector<1000x128xf32>
    tpu.vector_store %arg4[%swap3A, %swap3A_20], %mul3A_19 {strides = array<i32>} : memref<1000x128xf32, #tpu.memory_space<vmem>>, vector<1000x128xf32>,
    %broadcast_in_dim3A = vector.shape_cast %rsqrt3A : vector<1000x1xf32> to vector<1000x1xf32>
    %broadcast_in_dim3A_22 = vector.broadcast %broadcast_in_dim3A : vector<1000x1xf32> to vector<1000x8xf32>
    %swap3A_23 = arith.constant 0 : index
    %swap3A_24 = arith.constant 0 : index
    %swap3A_25 = vector.load %arg5[%swap3A_23, %swap3A_24] : memref<1000x8xf32, #tpu.memory_space<vmem>>, vector<1000x8xf32>
    tpu.vector_store %arg5[%swap3A_23, %swap3A_24], %broadcast_in_dim3A_22 {strides = array<i32>} : memref<1000x8xf32, #tpu.memory_space<vmem>>, vector<1000x8xf32>,
    return
  }
  func.func @transform_0(%arg0: i32) -> (i32, i32) {
    %c0_i32 = arith.constant 0 : i32
    %c0_i32_0 = arith.constant 0 : i32
    return %arg0, %c0_i32 : i32, i32
  }
  func.func @transform_1(%arg0: i32) -> (i32, i32) {
    %c0_i32 = arith.constant 0 : i32
    %c0_i32_0 = arith.constant 0 : i32
    %c0_i32_1 = arith.constant 0 : i32
    return %c0_i32, %c0_i32_0 : i32, i32
  }
  func.func @transform_2(%arg0: i32) -> (i32, i32, i32) {
    %c0_i32 = arith.constant 0 : i32
    %c0_i32_0 = arith.constant 0 : i32
    %c0_i32_1 = arith.constant 0 : i32
    return %c0_i32, %arg0, %c0_i32_0 : i32, i32, i32
  }
  func.func @transform_3(%arg0: i32) -> (i32, i32) {
    %c0_i32 = arith.constant 0 : i32
    %c0_i32_0 = arith.constant 0 : i32
    return %arg0, %c0_i32 : i32, i32
  }
  func.func @transform_4(%arg0: i32) -> (i32, i32) {
    %c0_i32 = arith.constant 0 : i32
    %c0_i32_0 = arith.constant 0 : i32
    return %arg0, %c0_i32 : i32, i32
  }
}

module attributes {stable_mosaic.version = 14 : i64} {
  func.func @body(%arg0: i32, %arg1: memref<2x1000x128xf32, #tpu.memory_space<vmem>>, %arg2: memref<1000x128xf32, #tpu.memory_space<vmem>>, %arg3: memref<1000x8xf32, #tpu.memory_space<vmem>>, %arg4: memref<1x128xf32, #tpu.memory_space<vmem>>, %arg5: memref<128x64xf32, #tpu.memory_space<vmem>>, %arg6: memref<1000x64xf32, #tpu.memory_space<vmem>>) attributes {dimension_semantics = [#tpu.dimension_semantics<arbitrary>], iteration_bounds = array<i64: 10>, scalar_prefetch = 0 : i64, scratch_operands = 0 : i64, tpu.core_type = #tpu.core_type<tc>, window_params = [{transform_indices = @transform_0, window_bounds = array<i64: 2, 1000, 128>}, {transform_indices = @transform_1, window_bounds = array<i64: 1000, 128>}, {transform_indices = @transform_2, window_bounds = array<i64: 1000, 8>}, {pipeline_mode = #tpu.pipeline_mode<synchronous>, transform_indices = @transform_3, window_bounds = array<i64: 1, 128>}, {pipeline_mode = #tpu.pipeline_mode<synchronous>, transform_indices = @transform_4, window_bounds = array<i64: 128, 64>}, {transform_indices = @transform_5, window_bounds = array<i64: 1000, 64>}]} {
    %get3A = arith.constant 0 : index
    %get3A_0 = arith.constant 0 : index
    %get3A_1 = vector.load %arg3[%get3A, %get3A_0] : memref<1000x8xf32, #tpu.memory_space<vmem>>, vector<1000x1xf32>
    %get3A_2 = arith.constant 0 : index
    %get3A_3 = arith.constant 0 : index
    %get3A_4 = arith.constant 0 : index
    %get3A_5 = vector.load %arg1[%get3A_2, %get3A_3, %get3A_4] : memref<2x1000x128xf32, #tpu.memory_space<vmem>>, vector<1x1000x128xf32>
    %get3A_6 = vector.shape_cast %get3A_5 : vector<1x1000x128xf32> to vector<1000x128xf32>
    %get3A_7 = arith.constant 1 : index
    %get3A_8 = arith.constant 0 : index
    %get3A_9 = arith.constant 0 : index
    %get3A_10 = vector.load %arg1[%get3A_7, %get3A_8, %get3A_9] : memref<2x1000x128xf32, #tpu.memory_space<vmem>>, vector<1x1000x128xf32>
    %get3A_11 = vector.shape_cast %get3A_10 : vector<1x1000x128xf32> to vector<1000x128xf32>
    %add3A = arith.addf %get3A_6, %get3A_11 : vector<1000x128xf32>
    %get3A_12 = arith.constant 0 : index
    %get3A_13 = arith.constant 0 : index
    %get3A_14 = vector.load %arg2[%get3A_12, %get3A_13] : memref<1000x128xf32, #tpu.memory_space<vmem>>, vector<1000x128xf32>
    %add3A_15 = arith.addf %add3A, %get3A_14 : vector<1000x128xf32>
    %mul3A = vector.broadcast %get3A_1 : vector<1000x1xf32> to vector<1000x128xf32>
    %mul3A_16 = arith.mulf %add3A_15, %mul3A : vector<1000x128xf32>
    %get3A_17 = arith.constant 0 : index
    %get3A_18 = arith.constant 0 : index
    %get3A_19 = vector.load %arg4[%get3A_17, %get3A_18] : memref<1x128xf32, #tpu.memory_space<vmem>>, vector<1x128xf32>
    %add3A_20 = vector.broadcast %get3A_19 : vector<1x128xf32> to vector<1000x128xf32>
    %add3A_21 = arith.addf %mul3A_16, %add3A_20 : vector<1000x128xf32>
    %max3A = arith.constant 0.000000e+00 : f32
    %max3A_22 = vector.broadcast %max3A : f32 to vector<1000x128xf32>
    %max3A_23 = arith.maximumf %add3A_21, %max3A_22 : vector<1000x128xf32>
    %mul3A_24 = vector.broadcast %get3A_1 : vector<1000x1xf32> to vector<1000x128xf32>
    %mul3A_25 = arith.mulf %max3A_23, %mul3A_24 : vector<1000x128xf32>
    %get3A_26 = arith.constant 0 : index
    %get3A_27 = arith.constant 0 : index
    %get3A_28 = vector.load %arg5[%get3A_26, %get3A_27] : memref<128x64xf32, #tpu.memory_space<vmem>>, vector<128x64xf32>
    %dot_general3A = arith.constant dense<0.000000e+00> : vector<1000x64xf32>
    %dot_general3A_29 = tpu.matmul %mul3A_25, %get3A_28, %dot_general3A {dimension_numbers = #tpu.dot_dimension_numbers<[1], [0], [0], [1], [0, 0, 1, 1], [], []>, precision = #tpu.contract_precision<fp32>, transpose_lhs_hint = false} : vector<1000x128xf32>, vector<128x64xf32>, vector<1000x64xf32> -> vector<1000x64xf32>
    %swap3A = arith.constant 0 : index
    %swap3A_30 = arith.constant 0 : index
    %swap3A_31 = vector.load %arg6[%swap3A, %swap3A_30] : memref<1000x64xf32, #tpu.memory_space<vmem>>, vector<1000x64xf32>
    tpu.vector_store %arg6[%swap3A, %swap3A_30], %dot_general3A_29 {strides = array<i32>} : memref<1000x64xf32, #tpu.memory_space<vmem>>, vector<1000x64xf32>,
    return
  }
  func.func @transform_0(%arg0: i32) -> (i32, i32, i32) {
    %c0_i32 = arith.constant 0 : i32
    %c0_i32_0 = arith.constant 0 : i32
    %c0_i32_1 = arith.constant 0 : i32
    return %c0_i32, %arg0, %c0_i32_0 : i32, i32, i32
  }
  func.func @transform_1(%arg0: i32) -> (i32, i32) {
    %c0_i32 = arith.constant 0 : i32
    %c0_i32_0 = arith.constant 0 : i32
    return %arg0, %c0_i32 : i32, i32
  }
  func.func @transform_2(%arg0: i32) -> (i32, i32) {
    %c0_i32 = arith.constant 0 : i32
    %c0_i32_0 = arith.constant 0 : i32
    return %arg0, %c0_i32 : i32, i32
  }
  func.func @transform_3(%arg0: i32) -> (i32, i32) {
    %c0_i32 = arith.constant 0 : i32
    %c0_i32_0 = arith.constant 0 : i32
    %c0_i32_1 = arith.constant 0 : i32
    return %c0_i32, %c0_i32_0 : i32, i32
  }
  func.func @transform_4(%arg0: i32) -> (i32, i32) {
    %c0_i32 = arith.constant 0 : i32
    %c0_i32_0 = arith.constant 0 : i32
    %c0_i32_1 = arith.constant 0 : i32
    return %c0_i32, %c0_i32_0 : i32, i32
  }
  func.func @transform_5(%arg0: i32) -> (i32, i32) {
    %c0_i32 = arith.constant 0 : i32
    %c0_i32_0 = arith.constant 0 : i32
    return %arg0, %c0_i32 : i32, i32
  }
}

module attributes {stable_mosaic.version = 14 : i64} {
  func.func @body(%arg0: i32, %arg1: memref<1024x64xf32, #tpu.memory_space<vmem>>, %arg2: memref<64x64xf32, #tpu.memory_space<vmem>>, %arg3: memref<1x64xf32, #tpu.memory_space<vmem>>, %arg4: memref<64x64xf32, #tpu.memory_space<vmem>>, %arg5: memref<1x64xf32, #tpu.memory_space<vmem>>, %arg6: memref<1x1x1024xi32, #tpu.memory_space<vmem>>, %arg7: memref<64x64xf32, #tpu.memory_space<vmem>>, %arg8: memref<64x8xf32, #tpu.memory_space<vmem>>) attributes {dimension_semantics = [#tpu.dimension_semantics<arbitrary>], iteration_bounds = array<i64: 16>, scalar_prefetch = 0 : i64, scratch_operands = 0 : i64, tpu.core_type = #tpu.core_type<tc>, window_params = [{transform_indices = @transform_0, window_bounds = array<i64: 1024, 64>}, {pipeline_mode = #tpu.pipeline_mode<synchronous>, transform_indices = @transform_1, window_bounds = array<i64: 64, 64>}, {pipeline_mode = #tpu.pipeline_mode<synchronous>, transform_indices = @transform_2, window_bounds = array<i64: 1, 64>}, {pipeline_mode = #tpu.pipeline_mode<synchronous>, transform_indices = @transform_3, window_bounds = array<i64: 64, 64>}, {pipeline_mode = #tpu.pipeline_mode<synchronous>, transform_indices = @transform_4, window_bounds = array<i64: 1, 64>}, {transform_indices = @transform_5, window_bounds = array<i64: 1, 1, 1024>}, {pipeline_mode = #tpu.pipeline_mode<synchronous>, transform_indices = @transform_6, window_bounds = array<i64: 64, 64>}, {pipeline_mode = #tpu.pipeline_mode<synchronous>, transform_indices = @transform_7, window_bounds = array<i64: 64, 8>}]} {
    %get3A = arith.constant 0 : index
    %get3A_0 = arith.constant 0 : index
    %get3A_1 = vector.load %arg1[%get3A, %get3A_0] : memref<1024x64xf32, #tpu.memory_space<vmem>>, vector<1024x64xf32>
    %get3A_2 = arith.constant 0 : index
    %get3A_3 = arith.constant 0 : index
    %get3A_4 = vector.load %arg2[%get3A_2, %get3A_3] : memref<64x64xf32, #tpu.memory_space<vmem>>, vector<64x64xf32>
    %dot_general3A = arith.constant dense<0.000000e+00> : vector<1024x64xf32>
    %dot_general3A_5 = tpu.matmul %get3A_1, %get3A_4, %dot_general3A {dimension_numbers = #tpu.dot_dimension_numbers<[1], [0], [0], [1], [0, 0, 1, 1], [], []>, precision = #tpu.contract_precision<fp32>, transpose_lhs_hint = false} : vector<1024x64xf32>, vector<64x64xf32>, vector<1024x64xf32> -> vector<1024x64xf32>
    %get3A_6 = arith.constant 0 : index
    %get3A_7 = arith.constant 0 : index
    %get3A_8 = vector.load %arg3[%get3A_6, %get3A_7] : memref<1x64xf32, #tpu.memory_space<vmem>>, vector<1x64xf32>
    %add3A = vector.broadcast %get3A_8 : vector<1x64xf32> to vector<1024x64xf32>
    %add3A_9 = arith.addf %dot_general3A_5, %add3A : vector<1024x64xf32>
    %max3A = arith.constant 0.000000e+00 : f32
    %max3A_10 = vector.broadcast %max3A : f32 to vector<1024x64xf32>
    %max3A_11 = arith.maximumf %add3A_9, %max3A_10 : vector<1024x64xf32>
    %get3A_12 = arith.constant 0 : index
    %get3A_13 = arith.constant 0 : index
    %get3A_14 = vector.load %arg4[%get3A_12, %get3A_13] : memref<64x64xf32, #tpu.memory_space<vmem>>, vector<64x64xf32>
    %dot_general3A_15 = arith.constant dense<0.000000e+00> : vector<1024x64xf32>
    %dot_general3A_16 = tpu.matmul %max3A_11, %get3A_14, %dot_general3A_15 {dimension_numbers = #tpu.dot_dimension_numbers<[1], [0], [0], [1], [0, 0, 1, 1], [], []>, precision = #tpu.contract_precision<fp32>, transpose_lhs_hint = false} : vector<1024x64xf32>, vector<64x64xf32>, vector<1024x64xf32> -> vector<1024x64xf32>
    %get3A_17 = arith.constant 0 : index
    %get3A_18 = arith.constant 0 : index
    %get3A_19 = vector.load %arg5[%get3A_17, %get3A_18] : memref<1x64xf32, #tpu.memory_space<vmem>>, vector<1x64xf32>
    %add3A_20 = vector.broadcast %get3A_19 : vector<1x64xf32> to vector<1024x64xf32>
    %add3A_21 = arith.addf %dot_general3A_16, %add3A_20 : vector<1024x64xf32>
    %get3A_22 = arith.constant 0 : index
    %get3A_23 = arith.constant 0 : index
    %get3A_24 = arith.constant 0 : index
    %get3A_25 = vector.load %arg6[%get3A_22, %get3A_23, %get3A_24] : memref<1x1x1024xi32, #tpu.memory_space<vmem>>, vector<1x1x1024xi32>
    %get3A_26 = vector.shape_cast %get3A_25 : vector<1x1x1024xi32> to vector<1024xi32>
    %broadcast_in_dim3A = vector.shape_cast %get3A_26 : vector<1024xi32> to vector<1024x1xi32>
    %iota3A = tpu.iota {dimensions = array<i32: 1>} : vector<1x64xi32>
    %eq3A = vector.broadcast %broadcast_in_dim3A : vector<1024x1xi32> to vector<1024x64xi32>
    %eq3A_27 = vector.broadcast %iota3A : vector<1x64xi32> to vector<1024x64xi32>
    %eq3A_28 = arith.cmpi eq, %eq3A, %eq3A_27 : vector<1024x64xi32>
    %convert_element_type3A = arith.extui %eq3A_28 : vector<1024x64xi1> to vector<1024x64xi32>
    %convert_element_type3A_29 = arith.sitofp %convert_element_type3A : vector<1024x64xi32> to vector<1024x64xf32>
    %dot_general3A_30 = arith.constant dense<0.000000e+00> : vector<64x64xf32>
    %dot_general3A_31 = tpu.matmul %convert_element_type3A_29, %add3A_21, %dot_general3A_30 {dimension_numbers = #tpu.dot_dimension_numbers<[0], [0], [1], [1], [0, 1, 1, 1], [], []>, precision = #tpu.contract_precision<fp32>, transpose_lhs_hint = false} : vector<1024x64xf32>, vector<1024x64xf32>, vector<64x64xf32> -> vector<64x64xf32>
    %broadcast_in_dim3A_32 = arith.constant 1.000000e+00 : f32
    %broadcast_in_dim3A_33 = vector.broadcast %broadcast_in_dim3A_32 : f32 to vector<1024x8xf32>
    %dot_general3A_34 = arith.constant dense<0.000000e+00> : vector<64x8xf32>
    %dot_general3A_35 = tpu.matmul %convert_element_type3A_29, %broadcast_in_dim3A_33, %dot_general3A_34 {dimension_numbers = #tpu.dot_dimension_numbers<[0], [0], [1], [1], [0, 1, 1, 1], [], []>, precision = #tpu.contract_precision<fp32>, transpose_lhs_hint = false} : vector<1024x64xf32>, vector<1024x8xf32>, vector<64x8xf32> -> vector<64x8xf32>
    %eq3A_36 = arith.constant 0 : i32
    %eq3A_37 = arith.cmpi eq, %arg0, %eq3A_36 : i32
    %convert_element_type3A_38 = arith.extui %eq3A_37 : i1 to i32
    %cond3A = arith.constant 0 : i32
    %cond3A_39 = arith.cmpi ne, %convert_element_type3A_38, %cond3A : i32
    scf.if %cond3A_39 {
      %broadcast_in_dim3A_53 = arith.constant 0.000000e+00 : f32
      %broadcast_in_dim3A_54 = vector.broadcast %broadcast_in_dim3A_53 : f32 to vector<64x64xf32>
      %swap3A_55 = arith.constant 0 : index
      %swap3A_56 = arith.constant 0 : index
      %swap3A_57 = vector.load %arg7[%swap3A_55, %swap3A_56] : memref<64x64xf32, #tpu.memory_space<vmem>>, vector<64x64xf32>
      tpu.vector_store %arg7[%swap3A_55, %swap3A_56], %broadcast_in_dim3A_54 {strides = array<i32>} : memref<64x64xf32, #tpu.memory_space<vmem>>, vector<64x64xf32>,
      %broadcast_in_dim3A_58 = arith.constant 0.000000e+00 : f32
      %broadcast_in_dim3A_59 = vector.broadcast %broadcast_in_dim3A_58 : f32 to vector<64x8xf32>
      %swap3A_60 = arith.constant 0 : index
      %swap3A_61 = arith.constant 0 : index
      %swap3A_62 = vector.load %arg8[%swap3A_60, %swap3A_61] : memref<64x8xf32, #tpu.memory_space<vmem>>, vector<64x8xf32>
      tpu.vector_store %arg8[%swap3A_60, %swap3A_61], %broadcast_in_dim3A_59 {strides = array<i32>} : memref<64x8xf32, #tpu.memory_space<vmem>>, vector<64x8xf32>,
    } else {
    }
    %get3A_40 = arith.constant 0 : index
    %get3A_41 = arith.constant 0 : index
    %get3A_42 = vector.load %arg7[%get3A_40, %get3A_41] : memref<64x64xf32, #tpu.memory_space<vmem>>, vector<64x64xf32>
    %add3A_43 = arith.addf %get3A_42, %dot_general3A_31 : vector<64x64xf32>
    %swap3A = arith.constant 0 : index
    %swap3A_44 = arith.constant 0 : index
    %swap3A_45 = vector.load %arg7[%swap3A, %swap3A_44] : memref<64x64xf32, #tpu.memory_space<vmem>>, vector<64x64xf32>
    tpu.vector_store %arg7[%swap3A, %swap3A_44], %add3A_43 {strides = array<i32>} : memref<64x64xf32, #tpu.memory_space<vmem>>, vector<64x64xf32>,
    %get3A_46 = arith.constant 0 : index
    %get3A_47 = arith.constant 0 : index
    %get3A_48 = vector.load %arg8[%get3A_46, %get3A_47] : memref<64x8xf32, #tpu.memory_space<vmem>>, vector<64x8xf32>
    %add3A_49 = arith.addf %get3A_48, %dot_general3A_35 : vector<64x8xf32>
    %swap3A_50 = arith.constant 0 : index
    %swap3A_51 = arith.constant 0 : index
    %swap3A_52 = vector.load %arg8[%swap3A_50, %swap3A_51] : memref<64x8xf32, #tpu.memory_space<vmem>>, vector<64x8xf32>
    tpu.vector_store %arg8[%swap3A_50, %swap3A_51], %add3A_49 {strides = array<i32>} : memref<64x8xf32, #tpu.memory_space<vmem>>, vector<64x8xf32>,
    return
  }
  func.func @transform_0(%arg0: i32) -> (i32, i32) {
    %c0_i32 = arith.constant 0 : i32
    %c0_i32_0 = arith.constant 0 : i32
    return %arg0, %c0_i32 : i32, i32
  }
  func.func @transform_1(%arg0: i32) -> (i32, i32) {
    %c0_i32 = arith.constant 0 : i32
    %c0_i32_0 = arith.constant 0 : i32
    %c0_i32_1 = arith.constant 0 : i32
    return %c0_i32, %c0_i32_0 : i32, i32
  }
  func.func @transform_2(%arg0: i32) -> (i32, i32) {
    %c0_i32 = arith.constant 0 : i32
    %c0_i32_0 = arith.constant 0 : i32
    %c0_i32_1 = arith.constant 0 : i32
    return %c0_i32, %c0_i32_0 : i32, i32
  }
  func.func @transform_3(%arg0: i32) -> (i32, i32) {
    %c0_i32 = arith.constant 0 : i32
    %c0_i32_0 = arith.constant 0 : i32
    %c0_i32_1 = arith.constant 0 : i32
    return %c0_i32, %c0_i32_0 : i32, i32
  }
  func.func @transform_4(%arg0: i32) -> (i32, i32) {
    %c0_i32 = arith.constant 0 : i32
    %c0_i32_0 = arith.constant 0 : i32
    %c0_i32_1 = arith.constant 0 : i32
    return %c0_i32, %c0_i32_0 : i32, i32
  }
  func.func @transform_5(%arg0: i32) -> (i32, i32, i32) {
    %c0_i32 = arith.constant 0 : i32
    %c0_i32_0 = arith.constant 0 : i32
    %c0_i32_1 = arith.constant 0 : i32
    return %arg0, %c0_i32, %c0_i32_0 : i32, i32, i32
  }
  func.func @transform_6(%arg0: i32) -> (i32, i32) {
    %c0_i32 = arith.constant 0 : i32
    %c0_i32_0 = arith.constant 0 : i32
    %c0_i32_1 = arith.constant 0 : i32
    return %c0_i32, %c0_i32_0 : i32, i32
  }
  func.func @transform_7(%arg0: i32) -> (i32, i32) {
    %c0_i32 = arith.constant 0 : i32
    %c0_i32_0 = arith.constant 0 : i32
    %c0_i32_1 = arith.constant 0 : i32
    return %c0_i32, %c0_i32_0 : i32, i32
  }
}

module attributes {stable_mosaic.version = 14 : i64} {
  func.func @body(%arg0: i32, %arg1: memref<2x1000x64xf32, #tpu.memory_space<vmem>>, %arg2: memref<1000x64xf32, #tpu.memory_space<vmem>>, %arg3: memref<1000x8xf32, #tpu.memory_space<vmem>>, %arg4: memref<1x64xf32, #tpu.memory_space<vmem>>, %arg5: memref<1x1x1000xi32, #tpu.memory_space<vmem>>, %arg6: memref<64x64xf32, #tpu.memory_space<vmem>>, %arg7: memref<64x8xf32, #tpu.memory_space<vmem>>, %arg8: memref<64x1xf32, #tpu.memory_space<vmem>>, %arg9: memref<64x64xf32, #tpu.memory_space<vmem>>, %arg10: memref<64x8xf32, #tpu.memory_space<vmem>>) attributes {dimension_semantics = [#tpu.dimension_semantics<arbitrary>], iteration_bounds = array<i64: 10>, scalar_prefetch = 0 : i64, scratch_operands = 0 : i64, tpu.core_type = #tpu.core_type<tc>, window_params = [{transform_indices = @transform_0, window_bounds = array<i64: 2, 1000, 64>}, {transform_indices = @transform_1, window_bounds = array<i64: 1000, 64>}, {transform_indices = @transform_2, window_bounds = array<i64: 1000, 8>}, {pipeline_mode = #tpu.pipeline_mode<synchronous>, transform_indices = @transform_3, window_bounds = array<i64: 1, 64>}, {transform_indices = @transform_4, window_bounds = array<i64: 1, 1, 1000>}, {pipeline_mode = #tpu.pipeline_mode<synchronous>, transform_indices = @transform_5, window_bounds = array<i64: 64, 64>}, {pipeline_mode = #tpu.pipeline_mode<synchronous>, transform_indices = @transform_6, window_bounds = array<i64: 64, 8>}, {pipeline_mode = #tpu.pipeline_mode<synchronous>, transform_indices = @transform_7, window_bounds = array<i64: 64, 1>}, {pipeline_mode = #tpu.pipeline_mode<synchronous>, transform_indices = @transform_8, window_bounds = array<i64: 64, 64>}, {pipeline_mode = #tpu.pipeline_mode<synchronous>, transform_indices = @transform_9, window_bounds = array<i64: 64, 8>}]} {
    %get3A = arith.constant 0 : index
    %get3A_0 = arith.constant 0 : index
    %get3A_1 = arith.constant 0 : index
    %get3A_2 = vector.load %arg1[%get3A, %get3A_0, %get3A_1] : memref<2x1000x64xf32, #tpu.memory_space<vmem>>, vector<1x1000x64xf32>
    %get3A_3 = vector.shape_cast %get3A_2 : vector<1x1000x64xf32> to vector<1000x64xf32>
    %get3A_4 = arith.constant 1 : index
    %get3A_5 = arith.constant 0 : index
    %get3A_6 = arith.constant 0 : index
    %get3A_7 = vector.load %arg1[%get3A_4, %get3A_5, %get3A_6] : memref<2x1000x64xf32, #tpu.memory_space<vmem>>, vector<1x1000x64xf32>
    %get3A_8 = vector.shape_cast %get3A_7 : vector<1x1000x64xf32> to vector<1000x64xf32>
    %add3A = arith.addf %get3A_3, %get3A_8 : vector<1000x64xf32>
    %get3A_9 = arith.constant 0 : index
    %get3A_10 = arith.constant 0 : index
    %get3A_11 = vector.load %arg2[%get3A_9, %get3A_10] : memref<1000x64xf32, #tpu.memory_space<vmem>>, vector<1000x64xf32>
    %add3A_12 = arith.addf %add3A, %get3A_11 : vector<1000x64xf32>
    %get3A_13 = arith.constant 0 : index
    %get3A_14 = arith.constant 0 : index
    %get3A_15 = vector.load %arg3[%get3A_13, %get3A_14] : memref<1000x8xf32, #tpu.memory_space<vmem>>, vector<1000x1xf32>
    %mul3A = vector.broadcast %get3A_15 : vector<1000x1xf32> to vector<1000x64xf32>
    %mul3A_16 = arith.mulf %add3A_12, %mul3A : vector<1000x64xf32>
    %get3A_17 = arith.constant 0 : index
    %get3A_18 = arith.constant 0 : index
    %get3A_19 = vector.load %arg4[%get3A_17, %get3A_18] : memref<1x64xf32, #tpu.memory_space<vmem>>, vector<1x64xf32>
    %add3A_20 = vector.broadcast %get3A_19 : vector<1x64xf32> to vector<1000x64xf32>
    %add3A_21 = arith.addf %mul3A_16, %add3A_20 : vector<1000x64xf32>
    %get3A_22 = arith.constant 0 : index
    %get3A_23 = arith.constant 0 : index
    %get3A_24 = arith.constant 0 : index
    %get3A_25 = vector.load %arg5[%get3A_22, %get3A_23, %get3A_24] : memref<1x1x1000xi32, #tpu.memory_space<vmem>>, vector<1x1x1000xi32>
    %get3A_26 = vector.shape_cast %get3A_25 : vector<1x1x1000xi32> to vector<1000xi32>
    %broadcast_in_dim3A = vector.shape_cast %get3A_26 : vector<1000xi32> to vector<1000x1xi32>
    %iota3A = tpu.iota {dimensions = array<i32: 1>} : vector<1x64xi32>
    %eq3A = vector.broadcast %broadcast_in_dim3A : vector<1000x1xi32> to vector<1000x64xi32>
    %eq3A_27 = vector.broadcast %iota3A : vector<1x64xi32> to vector<1000x64xi32>
    %eq3A_28 = arith.cmpi eq, %eq3A, %eq3A_27 : vector<1000x64xi32>
    %convert_element_type3A = arith.extui %eq3A_28 : vector<1000x64xi1> to vector<1000x64xi32>
    %convert_element_type3A_29 = arith.sitofp %convert_element_type3A : vector<1000x64xi32> to vector<1000x64xf32>
    %dot_general3A = arith.constant dense<0.000000e+00> : vector<64x64xf32>
    %dot_general3A_30 = tpu.matmul %convert_element_type3A_29, %add3A_21, %dot_general3A {dimension_numbers = #tpu.dot_dimension_numbers<[0], [0], [1], [1], [0, 1, 1, 1], [], []>, precision = #tpu.contract_precision<fp32>, transpose_lhs_hint = false} : vector<1000x64xf32>, vector<1000x64xf32>, vector<64x64xf32> -> vector<64x64xf32>
    %broadcast_in_dim3A_31 = arith.constant 1.000000e+00 : f32
    %broadcast_in_dim3A_32 = vector.broadcast %broadcast_in_dim3A_31 : f32 to vector<1000x8xf32>
    %dot_general3A_33 = arith.constant dense<0.000000e+00> : vector<64x8xf32>
    %dot_general3A_34 = tpu.matmul %convert_element_type3A_29, %broadcast_in_dim3A_32, %dot_general3A_33 {dimension_numbers = #tpu.dot_dimension_numbers<[0], [0], [1], [1], [0, 1, 1, 1], [], []>, precision = #tpu.contract_precision<fp32>, transpose_lhs_hint = false} : vector<1000x64xf32>, vector<1000x8xf32>, vector<64x8xf32> -> vector<64x8xf32>
    %eq3A_35 = arith.constant 0 : i32
    %eq3A_36 = arith.cmpi eq, %arg0, %eq3A_35 : i32
    %convert_element_type3A_37 = arith.extui %eq3A_36 : i1 to i32
    %cond3A = arith.constant 0 : i32
    %cond3A_38 = arith.cmpi ne, %convert_element_type3A_37, %cond3A : i32
    scf.if %cond3A_38 {
      %broadcast_in_dim3A_57 = arith.constant 0.000000e+00 : f32
      %broadcast_in_dim3A_58 = vector.broadcast %broadcast_in_dim3A_57 : f32 to vector<64x64xf32>
      %swap3A_59 = arith.constant 0 : index
      %swap3A_60 = arith.constant 0 : index
      %swap3A_61 = vector.load %arg9[%swap3A_59, %swap3A_60] : memref<64x64xf32, #tpu.memory_space<vmem>>, vector<64x64xf32>
      tpu.vector_store %arg9[%swap3A_59, %swap3A_60], %broadcast_in_dim3A_58 {strides = array<i32>} : memref<64x64xf32, #tpu.memory_space<vmem>>, vector<64x64xf32>,
      %broadcast_in_dim3A_62 = arith.constant 0.000000e+00 : f32
      %broadcast_in_dim3A_63 = vector.broadcast %broadcast_in_dim3A_62 : f32 to vector<64x8xf32>
      %swap3A_64 = arith.constant 0 : index
      %swap3A_65 = arith.constant 0 : index
      %swap3A_66 = vector.load %arg10[%swap3A_64, %swap3A_65] : memref<64x8xf32, #tpu.memory_space<vmem>>, vector<64x8xf32>
      tpu.vector_store %arg10[%swap3A_64, %swap3A_65], %broadcast_in_dim3A_63 {strides = array<i32>} : memref<64x8xf32, #tpu.memory_space<vmem>>, vector<64x8xf32>,
    } else {
    }
    %get3A_39 = arith.constant 0 : index
    %get3A_40 = arith.constant 0 : index
    %get3A_41 = vector.load %arg9[%get3A_39, %get3A_40] : memref<64x64xf32, #tpu.memory_space<vmem>>, vector<64x64xf32>
    %add3A_42 = arith.addf %get3A_41, %dot_general3A_30 : vector<64x64xf32>
    %swap3A = arith.constant 0 : index
    %swap3A_43 = arith.constant 0 : index
    %swap3A_44 = vector.load %arg9[%swap3A, %swap3A_43] : memref<64x64xf32, #tpu.memory_space<vmem>>, vector<64x64xf32>
    tpu.vector_store %arg9[%swap3A, %swap3A_43], %add3A_42 {strides = array<i32>} : memref<64x64xf32, #tpu.memory_space<vmem>>, vector<64x64xf32>,
    %get3A_45 = arith.constant 0 : index
    %get3A_46 = arith.constant 0 : index
    %get3A_47 = vector.load %arg10[%get3A_45, %get3A_46] : memref<64x8xf32, #tpu.memory_space<vmem>>, vector<64x8xf32>
    %add3A_48 = arith.addf %get3A_47, %dot_general3A_34 : vector<64x8xf32>
    %swap3A_49 = arith.constant 0 : index
    %swap3A_50 = arith.constant 0 : index
    %swap3A_51 = vector.load %arg10[%swap3A_49, %swap3A_50] : memref<64x8xf32, #tpu.memory_space<vmem>>, vector<64x8xf32>
    tpu.vector_store %arg10[%swap3A_49, %swap3A_50], %add3A_48 {strides = array<i32>} : memref<64x8xf32, #tpu.memory_space<vmem>>, vector<64x8xf32>,
    %eq3A_52 = arith.constant 9 : i32
    %eq3A_53 = arith.cmpi eq, %arg0, %eq3A_52 : i32
    %convert_element_type3A_54 = arith.extui %eq3A_53 : i1 to i32
    %cond3A_55 = arith.constant 0 : i32
    %cond3A_56 = arith.cmpi ne, %convert_element_type3A_54, %cond3A_55 : i32
    scf.if %cond3A_56 {
      %get3A_57 = arith.constant 0 : index
      %get3A_58 = arith.constant 0 : index
      %get3A_59 = vector.load %arg9[%get3A_57, %get3A_58] : memref<64x64xf32, #tpu.memory_space<vmem>>, vector<64x64xf32>
      %get3A_60 = arith.constant 0 : index
      %get3A_61 = arith.constant 0 : index
      %get3A_62 = vector.load %arg10[%get3A_60, %get3A_61] : memref<64x8xf32, #tpu.memory_space<vmem>>, vector<64x1xf32>
      %jit3A = arith.constant 1.000000e+00 : f32
      %max3A = vector.broadcast %jit3A : f32 to vector<64x1xf32>
      %max3A_63 = arith.maximumf %max3A, %get3A_62 : vector<64x1xf32>
      %div3A = vector.broadcast %max3A_63 : vector<64x1xf32> to vector<64x64xf32>
      %div3A_64 = arith.divf %get3A_59, %div3A : vector<64x64xf32>
      %get3A_65 = arith.constant 0 : index
      %get3A_66 = arith.constant 0 : index
      %get3A_67 = vector.load %arg6[%get3A_65, %get3A_66] : memref<64x64xf32, #tpu.memory_space<vmem>>, vector<64x64xf32>
      %get3A_68 = arith.constant 0 : index
      %get3A_69 = arith.constant 0 : index
      %get3A_70 = vector.load %arg7[%get3A_68, %get3A_69] : memref<64x8xf32, #tpu.memory_space<vmem>>, vector<64x1xf32>
      %jit3A_71 = arith.constant 1.000000e+00 : f32
      %max3A_72 = vector.broadcast %jit3A_71 : f32 to vector<64x1xf32>
      %max3A_73 = arith.maximumf %max3A_72, %get3A_70 : vector<64x1xf32>
      %div3A_74 = vector.broadcast %max3A_73 : vector<64x1xf32> to vector<64x64xf32>
      %div3A_75 = arith.divf %get3A_67, %div3A_74 : vector<64x64xf32>
      %slice3A = vector.extract_strided_slice %div3A_64 {offsets = [0, 32], sizes = [64, 32], strides = [1, 1]} : vector<64x64xf32> to vector<64x32xf32>
      %slice3A_76 = vector.extract_strided_slice %div3A_64 {offsets = [0, 0], sizes = [64, 32], strides = [1, 1]} : vector<64x64xf32> to vector<64x32xf32>
      %sub3A = arith.subf %slice3A, %slice3A_76 : vector<64x32xf32>
      %add3A_77 = arith.constant 9.99999997E-7 : f32
      %add3A_78 = vector.broadcast %add3A_77 : f32 to vector<64x32xf32>
      %add3A_79 = arith.addf %sub3A, %add3A_78 : vector<64x32xf32>
      %slice3A_80 = vector.extract_strided_slice %div3A_75 {offsets = [0, 32], sizes = [64, 32], strides = [1, 1]} : vector<64x64xf32> to vector<64x32xf32>
      %slice3A_81 = vector.extract_strided_slice %div3A_75 {offsets = [0, 0], sizes = [64, 32], strides = [1, 1]} : vector<64x64xf32> to vector<64x32xf32>
      %sub3A_82 = arith.subf %slice3A_80, %slice3A_81 : vector<64x32xf32>
      %add3A_83 = arith.constant 9.99999997E-7 : f32
      %add3A_84 = vector.broadcast %add3A_83 : f32 to vector<64x32xf32>
      %add3A_85 = arith.addf %sub3A_82, %add3A_84 : vector<64x32xf32>
      %mul3A_86 = arith.mulf %add3A_79, %add3A_79 : vector<64x32xf32>
      %reduce_sum3A = arith.constant dense<0.000000e+00> : vector<64xf32>
      %reduce_sum3A_87 = vector.multi_reduction <add>, %mul3A_86, %reduce_sum3A [1] : vector<64x32xf32> to vector<64xf32>
      %broadcast_in_dim3A_88 = vector.shape_cast %reduce_sum3A_87 : vector<64xf32> to vector<64x1xf32>
      %sqrt3A = math.sqrt %broadcast_in_dim3A_88 : vector<64x1xf32>
      %mul3A_89 = arith.mulf %add3A_85, %add3A_85 : vector<64x32xf32>
      %reduce_sum3A_90 = arith.constant dense<0.000000e+00> : vector<64xf32>
      %reduce_sum3A_91 = vector.multi_reduction <add>, %mul3A_89, %reduce_sum3A_90 [1] : vector<64x32xf32> to vector<64xf32>
      %broadcast_in_dim3A_92 = vector.shape_cast %reduce_sum3A_91 : vector<64xf32> to vector<64x1xf32>
      %sqrt3A_93 = math.sqrt %broadcast_in_dim3A_92 : vector<64x1xf32>
      %add3A_94 = arith.addf %sqrt3A, %sqrt3A_93 : vector<64x1xf32>
      %swap3A_95 = arith.constant 0 : index
      %swap3A_96 = arith.constant 0 : index
      %swap3A_97 = vector.load %arg8[%swap3A_95, %swap3A_96] : memref<64x1xf32, #tpu.memory_space<vmem>>, vector<64x1xf32>
      tpu.vector_store %arg8[%swap3A_95, %swap3A_96], %add3A_94 {strides = array<i32>} : memref<64x1xf32, #tpu.memory_space<vmem>>, vector<64x1xf32>,
    } else {
    }
    return
  }
  func.func @transform_0(%arg0: i32) -> (i32, i32, i32) {
    %c0_i32 = arith.constant 0 : i32
    %c0_i32_0 = arith.constant 0 : i32
    %c0_i32_1 = arith.constant 0 : i32
    return %c0_i32, %arg0, %c0_i32_0 : i32, i32, i32
  }
  func.func @transform_1(%arg0: i32) -> (i32, i32) {
    %c0_i32 = arith.constant 0 : i32
    %c0_i32_0 = arith.constant 0 : i32
    return %arg0, %c0_i32 : i32, i32
  }
  func.func @transform_2(%arg0: i32) -> (i32, i32) {
    %c0_i32 = arith.constant 0 : i32
    %c0_i32_0 = arith.constant 0 : i32
    return %arg0, %c0_i32 : i32, i32
  }
  func.func @transform_3(%arg0: i32) -> (i32, i32) {
    %c0_i32 = arith.constant 0 : i32
    %c0_i32_0 = arith.constant 0 : i32
    %c0_i32_1 = arith.constant 0 : i32
    return %c0_i32, %c0_i32_0 : i32, i32
  }
  func.func @transform_4(%arg0: i32) -> (i32, i32, i32) {
    %c0_i32 = arith.constant 0 : i32
    %c0_i32_0 = arith.constant 0 : i32
    %c0_i32_1 = arith.constant 0 : i32
    return %arg0, %c0_i32, %c0_i32_0 : i32, i32, i32
  }
  func.func @transform_5(%arg0: i32) -> (i32, i32) {
    %c0_i32 = arith.constant 0 : i32
    %c0_i32_0 = arith.constant 0 : i32
    %c0_i32_1 = arith.constant 0 : i32
    return %c0_i32, %c0_i32_0 : i32, i32
  }
  func.func @transform_6(%arg0: i32) -> (i32, i32) {
    %c0_i32 = arith.constant 0 : i32
    %c0_i32_0 = arith.constant 0 : i32
    %c0_i32_1 = arith.constant 0 : i32
    return %c0_i32, %c0_i32_0 : i32, i32
  }
  func.func @transform_7(%arg0: i32) -> (i32, i32) {
    %c0_i32 = arith.constant 0 : i32
    %c0_i32_0 = arith.constant 0 : i32
    %c0_i32_1 = arith.constant 0 : i32
    return %c0_i32, %c0_i32_0 : i32, i32
  }
  func.func @transform_8(%arg0: i32) -> (i32, i32) {
    %c0_i32 = arith.constant 0 : i32
    %c0_i32_0 = arith.constant 0 : i32
    %c0_i32_1 = arith.constant 0 : i32
    return %c0_i32, %c0_i32_0 : i32, i32
  }
  func.func @transform_9(%arg0: i32) -> (i32, i32) {
    %c0_i32 = arith.constant 0 : i32
    %c0_i32_0 = arith.constant 0 : i32
    %c0_i32_1 = arith.constant 0 : i32
    return %c0_i32, %c0_i32_0 : i32, i32
  }
}

</mosaic_0001>

<sc_bundles>
// kernel: kernel.12.cloned.1.call-start
scs
__scs_entry_jumppad:
0x0: {  	(pc) =	sbr.rel $0x88, $3  }
0x1: {  	(tag) =	ssettag $0x0;
	lr =	simm.s32 $0x1  }
0x2: {  	[smem:$0x3F8C] =	sst lr;
	_ =	strace $0xD0000000  }
0x3: {  	_ = 	snop  }
0x4: {  	_ = 	snop  }
0x5: {  	_ = 	snop  }
0x6: {  	_ = 	snop  }
0x7: {  	_ = 	snop  }
__scs_overlays_trampoline_lowered:
0x8: {  	[smem:$0x3F9B] =	sst s0  }
0x9: {  	[smem:$0x3F9C] =	sst s1  }
0xa: {  	[smem:$0x3F9D] =	sst s2  }
0xb: {  	[smem:$0x3F9E] =	sst s3  }
0xc: {  	[smem:$0x3F9F] =	sst s4  }
0xd: {  	[smem:$0x3FA0] =	sst s5  }
0xe: {  	[smem:$0x3FA1] =	sst s6  }
0xf: {  	[smem:$0x3FA2] =	sst s7  }
0x10: {  	[smem:$0x3FA3] =	sst s8  }
0x11: {  	[smem:$0x3FA4] =	sst s9;
	s0 =	simm.s32 @!p0 $0x0  }
0x12: {  	s1 =	sld [smem:$0x3F8A];
	s0 =	simm.s32 @p0 $0x1  }
0x13: {  	[smem:$0x3FA5] =	sst s0;
	s0 =	simm.s32 @!p1 $0x0  }
0x14: {  	s2 =	sld [smem:$0x3F89];
	s0 =	simm.s32 @p1 $0x1  }
0x15: {  	[smem:$0x3FA6] =	sst s0;
	s0 =	simm.s32 @!p2 $0x0  }
0x16: {  	s3 =	sld [smem:$0x3FDB];
	s0 =	simm.s32 @p2 $0x1  }
0x17: {  	s4 =	simm.s32 $0x1BF5;
	[smem:$0x3FA8] =	sst s0  }
0x18: {  	s0 =	sld [smem:$0x3F8B];
	_ =	swait.ge [sflag:s4], $0x0  }
0x19: {  	s7 =	sld [smem:$0x3F8C]  }
0x1a: {  	s8 =	sadd.s32 $0xFFFFE003, lr  }
0x1b: {  	s9 =	sadd.s32 $0xFFFFFEF7, lr;
	s5 =	simm.s32 $0xFFFFFFFF;
	p2 =	slt.u32 s8, $0xFFFFF086  }
0x1c: {  	p1 =	slt.u32 s9, $0xF7A;
	s5 =	simm.s32 @!p2 $0x0  }
0x1d: {  	s5 =	simm.s32 @p1 $0x1;
	p0 =	seq.s32 s7, s2  }
0x1e: {  	s7 =	smul.u32 @!p0 $0xF7A, s2;
	p2 =	seq.s32 @!p0 s5, $0x0  }
0x1f: {  	s9 =	smul.u32 $0xF7A, s1;
	s8 =	simm.s32 @!p0 $0x1BF5;
	p2 =	por !p2, p0  }
0x20: {  	[sflag:s8] =	ssyncset.s32 @!p0 $0xFFFFF086;
	s6 =	sadd.s32 @!p0 s3, s7;
	s7 =	simm.s32 @!p0 $0x108  }
0x21: {  	s3 =	sadd.s32 s3, s9;
	s6 =	sadd.s32 @!p0 $0x88, s6;
	s7 =	simm.s32 @p2 $0x1082  }
0x22: {  	[simem:s7], [sflag:s8] =	dma.local @!p0 [hbm:s6], $0xF7A  }
0x23: {  	s9 =	sor.u32 $0xD0000000, s2;
	s6 =	simm.s32 $0x108;
	_ =	swait.ge @!p0 [sflag:s8], $0x0  }
0x24: {  	s3 =	sadd.s32 $0x88, s3;
	s6 =	simm.s32 @!p1 $0x1082;
	[sflag:s4] =	ssyncset.s32 $0xFFFFF086  }
0x25: {  	[simem:s6], [sflag:s4] =	dma.local [hbm:s3], $0xF7A  }
0x26: {  	[smem:$0x3F8C] =	sst s1;
	(tag) =	ssettag s2;
	_ =	strace s9  }
0x27: {  	s1 =	sld [smem:$0x3F9C]  }
0x28: {  	s2 =	sld [smem:$0x3F9D]  }
0x29: {  	s4 =	sld [smem:$0x3F9F]  }
0x2a: {  	p0 =	seq.s32 s5, $0x0;
	s5 =	sld [smem:$0x3FA0]  }
0x2b: {  	s6 =	sld [smem:$0x3FA1]  }
0x2c: {  	s7 =	sld [smem:$0x3FA2]  }
0x2d: {  	s3 =	simm.s32 $0x108;
	s8 =	sld [smem:$0x3FA3]  }
0x2e: {  	s3 =	simm.s32 @!p0 $0x1082;
	s9 =	sld [smem:$0x3FA4]  }
0x2f: {  	lr =	sadd.s32 s0, s3;
	s0 =	sld [smem:$0x3F9B]  }
0x30: {  	s3 =	sld [smem:$0x3F9E]  }
0x31: {  	[smem:$0x3FA7] =	sst s10  }
0x32: {  	s10 =	sld [smem:$0x3FA5];
	_ =	sdelay $0x3  }
0x33: {  	p0 =	seq.s32 s10, $0x1;
	s10 =	sld [smem:$0x3FA7];
	_ =	sdelay $0x3  }
0x34: {  	[smem:$0x3FA7] =	sst s10  }
0x35: {  	s10 =	sld [smem:$0x3FA6];
	_ =	sdelay $0x3  }
0x36: {  	p1 =	seq.s32 s10, $0x1;
	s10 =	sld [smem:$0x3FA7];
	_ =	sdelay $0x3  }
0x37: {  	[smem:$0x3FA7] =	sst s10  }
0x38: {  	s10 =	sld [smem:$0x3FA8]  }
0x39: {  	_ = 	snop;
	(pc) =	sbr.ind lr, $3  }
0x3a: {  	_ = 	snop  }
0x3b: {  	_ = 	snop  }
0x3c: {  	p2 =	seq.s32 s10, $0x1;
	s10 =	sld [smem:$0x3FA7]  }
0x3d: {  	_ =	shalt  }
0x3e: {  	_ =	shalt  }
0x3f: {  	_ =	shalt  }
0x40: {  	_ =	shalt  }
0x41: {  	_ =	shalt  }
0x42: {  	_ =	shalt  }
0x43: {  	_ =	shalt  }
0x44: {  	_ =	shalt  }
0x45: {  	_ =	shalt  }
0x46: {  	_ =	shalt  }
0x47: {  	_ =	shalt  }
0x48: {  	_ =	shalt  }
0x49: {  	_ =	shalt  }
0x4a: {  	_ =	shalt  }
0x4b: {  	_ =	shalt  }
0x4c: {  	_ =	shalt  }
0x4d: {  	_ =	shalt  }
0x4e: {  	_ =	shalt  }
0x4f: {  	_ =	shalt  }
0x50: {  	_ =	shalt  }
0x51: {  	_ =	shalt  }
0x52: {  	_ =	shalt  }
0x53: {  	_ =	shalt  }
0x54: {  	_ =	shalt  }
0x55: {  	_ =	shalt  }
0x56: {  	_ =	shalt  }
0x57: {  	_ =	shalt  }
0x58: {  	_ =	shalt  }
0x59: {  	_ =	shalt  }
0x5a: {  	_ =	shalt  }
0x5b: {  	_ =	shalt  }
0x5c: {  	_ =	shalt  }
0x5d: {  	_ =	shalt  }
0x5e: {  	_ =	shalt  }
0x5f: {  	_ =	shalt  }
0x60: {  	_ =	shalt  }
0x61: {  	_ =	shalt  }
0x62: {  	_ =	shalt  }
0x63: {  	_ =	shalt  }
0x64: {  	_ =	shalt  }
0x65: {  	_ =	shalt  }
0x66: {  	_ =	shalt  }
0x67: {  	_ =	shalt  }
0x68: {  	_ =	shalt  }
0x69: {  	_ =	shalt  }
0x6a: {  	_ =	shalt  }
0x6b: {  	_ =	shalt  }
0x6c: {  	_ =	shalt  }
0x6d: {  	_ =	shalt  }
0x6e: {  	_ =	shalt  }
0x6f: {  	_ =	shalt  }
0x70: {  	_ =	shalt  }
0x71: {  	_ =	shalt  }
0x72: {  	_ =	shalt  }
0x73: {  	_ =	shalt  }
0x74: {  	_ =	shalt  }
0x75: {  	_ =	shalt  }
0x76: {  	_ =	shalt  }
0x77: {  	_ =	shalt  }
0x78: {  	_ =	shalt  }
0x79: {  	_ =	shalt  }
0x7a: {  	_ =	shalt  }
0x7b: {  	_ =	shalt  }
0x7c: {  	_ =	shalt  }
0x7d: {  	_ =	shalt  }
0x7e: {  	_ =	shalt  }
0x7f: {  	_ =	shalt  }
0x80: {  	_ =	shalt  }
0x81: {  	_ =	shalt  }
0x82: {  	_ =	shalt  }
0x83: {  	_ =	shalt  }
0x84: {  	_ =	shalt  }
0x85: {  	_ =	shalt  }
0x86: {  	_ =	shalt  }
0x87: {  	_ =	shalt  }
.Lfunc_end0:
.L_simem_size_0:
called_computation.1_lowered:
.L_overlay_start_0:
0x88: {  	s2 =	sld [smem:$0x3FD9]  }
0x89: {  	s3 =	sld [smem:$0x3FFE];
	_ =	sdelay $0x1  }
0x8a: {  	s1 =	srdreg.scid  }
0x8b: {  	s0 =	sand.u32 $0x1, s1  }
0x8c: {  	s16 =	sshll.u32 s0, $0xA;
	s2 =	sadd.s32 s3, s2  }
0x8d: {  	s2 =	sadd.s32 s2, s16  }
0x8e: {  	[smem:$0x3FB3] =	sst s2  }
0x8f: {  	_ = 	snop  }
0x90: {  	(tm) =	ssettm $0x1  }
0x91: {  	s17 =	sld [smem:$0x3FFB];
	_ =	sdelay $0x3  }
0x92: {  	_ =	strace s17  }
0x93: {  	s2 =	sld [smem:$0x3FFC];
	_ =	sdelay $0x3  }
0x94: {  	_ =	strace s2  }
0x95: {  	s2 =	sld [smem:$0x3FFD];
	_ =	sdelay $0x3  }
0x96: {  	_ =	strace s2  }
0x97: {  	_ =	strace $0x8FFFFFFF  }
0x98: {  	s18 =	sld [smem:$0x3FDB];
	_ =	sdelay $0x1  }
0x99: {  	s19 =	simm.s32 $_scs_section_size  }
0x9a: {  	s4 =	simm.s32 $_size__tile_overlayer_lowered;
	s5 =	simm.s32 $_tile_overlayer_lowered  }
0x9b: {  	s22 =	simm.s32 $0x1BFF;
	s21 =	sshll.u32 s5, $0x1;
	s2 =	sadd.s32 s19, s18  }
0x9c: {  	s6 =	simm.s32 $0x0;
	s20 =	sshll.u32 s4, $0x1;
	s4 =	sadd.s32 s21, s2  }
0x9d: {  	[timem:s6], [sflag:s22] =	dma.local [hbm:s4], s20  }
0x9e: {  	_ =	swait.ge [sflag:s22], s20  }
0x9f: {  	s3 =	ssub.s32 $0x0, s20;
	[sflag:s22] =	ssyncset.done $0x0  }
0xa0: {  	[sflag:s22] =	ssyncadd.s32 s3;
	_ =	sdelay $0x1  }
0xa1: {  	s23 =	simm.s32 $0x1B8B  }
0xa2: {  	_ =	swait.ge [sflag:s23], $0x1  }
0xa3: {  	[sflag:s23] =	ssyncset.done $0x0  }
0xa4: {  	s25 =	simm.s32 $0x1B8E;
	s24 =	sld [smem:$0x3FFE];
	[sflag:s23] =	ssyncadd.s32 $0xFFFFFFFF  }
0xa5: {  	s26 =	simm.s32 $execute0_lowered;
	[smem:$0x3FD2] =	sst s25  }
0xa6: {  	s4 =	sshll.u32 s26, $0x1;
	_ =	strace $0x80000049;
	[dreg:$0x1] =	wrdreg $0xFFFFFFFF  }
0xa7: {  	s28 =	simm.s32 $_size_execute0_lowered;
	s2 =	sadd.s32 s2, s4;
	[dreg:$0x0] =	wrdreg $0x0  }
0xa8: {  	s4 =	sshll.u32 s28, $0x1;
	[dreg:$0x2] =	wrdreg s2  }
0xa9: {  	[dreg:$0x3] =	wrdreg s4  }
0xaa: {  	[dreg:$0x4] =	wrdreg $0xC0  }
0xab: {  	_ =	task [dreg:s6], $0x5FFFF  }
0xac: {  	[dreg:$0x1] =	wrdreg $0xFFFFFFFF  }
0xad: {  	[dreg:$0x0] =	wrdreg $0x60  }
0xae: {  	[dreg:$0x2] =	wrdreg s24  }
0xaf: {  	[dreg:$0x3] =	wrdreg $0xB7800  }
0xb0: {  	[dreg:$0x4] =	wrdreg $0x9  }
0xb1: {  	_ =	task.clear_ibuf [dreg:s6], $0x5FFFF;
	_ =	strace $0x90000049  }
0xb2: {  	s29 =	simm.s32 $0x9;
	_ =	strace $0x8000004B  }
0xb3: {  	_ =	swait.ge [sflag:s29], $0x1  }
0xb4: {  	[sflag:s29] =	ssyncadd.s32 $0xFFFFFFFF  }
0xb5: {  	_ =	strace $0x9000004B  }
0xb6: {  	_ =	sfence  }
0xb7: {  	s30 =	sld [smem:$0x0];
	_ =	sdelay $0x2  }
0xb8: {  	s31 =	sshll.u32 s1, $0xD;
	s1 =	sshrl.u32 s1, $0x2  }
0xb9: {  	s3 =	sand.u32 $0x4000, s31;
	s1 =	sadd.s32 s1, s30  }
0xba: {  	s0 =	sor.u32 s3, s0;
	s1 =	sshll.u32 s1, $0x11  }
0xbb: {  	s0 =	sor.u32 s1, s0  }
0xbc: {  	s0 =	sadd.s32 $0x8F2B, s0  }
0xbd: {  	[sflag:s0] =	ssyncadd.remote.s32 $0x1  }
0xbe: {  	_ =	sfence.sel $0xFFFF  }
0xbf: {  	[dreg:$0x0] =	wrdreg $0xFFFFFFFF;
	(pc) =	sbr.abs _section_cstart, $3  }
0xc0: {  	[dreg:$0x1] =	wrdreg $0xFFFFFFFF  }
0xc1: {  	_ =	task.clear_ibuf [dreg:s6], $0x2FFFF;
	_ =	strace $0x9FFFFFFF  }
0xc2: {  	(tm) =	ssettm $0x7FFFFFFF  }
0xc3: {  	_ =	shalt  }
tec
execute0_lowered:
.L_overlay_start_1:
0x0: {  	(tag) =	ssettag $0x1  }
0x1: {  	s1 =	srdreg.scid;
	s6 =	rddreg [dreg:$0x0]  }
0x2: {  	s0 =	stileid.u32;
	s2 =	rddreg [dreg:$0x1]  }
0x3: {  	s3 =	simm.s32 $0x0;
	s14 =	simm.s32 $0x50;
	s15 =	simm.s32 $0x6780  }
0x4: {  	s16 =	simm.s32 $0x8F80;
	s17 =	simm.s32 $0x1;
	s18 =	simm.s32 $0x2  }
0x5: {  	s19 =	simm.s32 $0x3;
	s20 =	simm.s32 $0x4;
	s21 =	simm.s32 $0x6480  }
0x6: {  	s22 =	simm.s32 $0x6500;
	s23 =	simm.s32 $0x26C0;
	s24 =	simm.s32 $0x6580  }
0x7: {  	s25 =	simm.s32 $0x0;
	s5 =	sand.u32 $0x1, s1;
	s1 =	rddreg [dreg:$0x2]  }
0x8: {  	s28 =	sshll.u32 s0, $0x1;
	[smem:$0x7FF] =	sst s3;
	s10 =	smul.u32 $0x14000, s0  }
0x9: {  	s4 =	sadd.s32 $0x3B400, s6;
	s11 =	smul.u32 $0x50000, s0;
	s12 =	sshll.u32 s0, $0x6  }
0xa: {  	s7 =	sor.u32 s5, s28;
	s9 =	smul.u32 $0x140000, s5;
	_ =	strace $0x8000004A  }
0xb: {  	s29 =	ssub.s32 $0x2, s5;
	s5 =	sadd.s32 $0x20C00, s6;
	s12 =	sor.u32 $0x1C05, s12  }
0xc: {  	s8 =	smul.u32 $0x4E2, s7;
	s7 =	sshll.u32 s7, $0xB;
	s30 =	sshrl.u32 s29, $0x1  }
0xd: {  	s31 =	sshrl.u32 s11, $0x2;
	s11 =	simm.s32 $0x2780;
	s7 =	sadd.s32 s7, s6  }
0xe: {  	s9 =	sadd.s32 s10, s9;
	s10 =	ssub.s32 s29, s30;
	s13 =	sadd.s32 s31, s2  }
0xf: {  	s8 =	sadd.s32 s8, s6;
	s9 =	sshrl.u32 s9, $0x3;
	s7 =	sadd.s32 $0x2B400, s7  }
0x10: {  	s13 =	sshrl.u32 s13, $0x3;
	s9 =	sadd.s32 s9, s6;
	s6 =	sadd.s32 $0x3200, s8  }
0x11: {  	s8 =	sadd.s32 $0x62600, s9;
	s9 =	smax.u32 s10, $0x1;
	s10 =	simm.s32 $0x5  }
.LBB2_1:
0x12: {  	[tilespmem:s3], [sflag:$0x5] =	stream.linear.gather [hbm4b:s6+s3], $0x2710, $0x38;
	[tilespmem:$0x1F780] =	vst v63  }
0x13: {  	_ =	swait.ge [sflag:s10], $0x2710  }
0x14: {  	[sflag:s10] =	ssyncset.done $0x0  }
0x15: {  	[sflag:s10] =	ssyncadd.s32 $0xFFFFD8F0  }
0x16: {  	[tilespmem:s11], [sflag:$0x5] =	stream.linear.gather [hbm4b:s7+s3], $0x3E80, $0x38;
	[tilespmem:$0x1F780] =	vst v63  }
0x17: {  	_ =	swait.ge [sflag:s10], $0x3E80  }
0x18: {  	[sflag:s10] =	ssyncset.done $0x0  }
0x19: {  	[sflag:s10] =	ssyncadd.s32 $0xFFFFC180  }
0x1a: {  	[spmem:s13], [sflag:s12] =	dma.local [hbm:s5], $0x2800  }
0x1b: {  	_ =	swait.ge [sflag:s10], $0x2800  }
0x1c: {  	[sflag:s10] =	ssyncset.done $0x0  }
0x1d: {  	[sflag:s10] =	ssyncadd.s32 $0xFFFFD800  }
0x1e: {  	[bflag:$0x0] =	sbarrier.arrive $0xFFFF  }
0x1f: {  	[tilespmem:s15], [sflag:$0x1] =	stream.indirect.gather [hbm4b:s4+s14], $0x80, s3, s14, $0xb8;
	[tilespmem:$0x1F780] =	vst v63  }
0x20: {  	_ = 	snop  }
0x21: {  	[tilespmem:s16], [sflag:$0x2] =	stream.indirect.gather [hbm4b:s4+s14], $0x80, s14, s14, $0xb8;
	[tilespmem:$0x1F780] =	vst v63  }
0x22: {  	_ =	swait.ge [sflag:s17], $0x2800  }
0x23: {  	[sflag:s17] =	ssyncset.done $0x0  }
0x24: {  	s26 =	simm.s32 $0x2780;
	[sflag:s17] =	ssyncadd.s32 $0xFFFFD800  }
0x25: {  	[spmem:s2] =	stream.indirect.scatter.add.f32 [tilespmem:s15], [sflag:$0x3], $0x80, s26, s14, $0xb8;
	[tilespmem:$0x1F780] =	vst v63  }
0x26: {  	_ =	swait.ge [sflag:s18], $0x2800  }
0x27: {  	[sflag:s18] =	ssyncset.done $0x0  }
0x28: {  	s30 =	simm.s32 $0x2800;
	[sflag:s18] =	ssyncadd.s32 $0xFFFFD800  }
0x29: {  	[spmem:s2] =	stream.indirect.scatter.add.f32 [tilespmem:s16], [sflag:$0x4], $0x80, s30, s14, $0xb8;
	[tilespmem:$0x1F780] =	vst v63  }
0x2a: {  	_ =	swait.ge [sflag:s19], $0x2800  }
0x2b: {  	[sflag:s19] =	ssyncset.done $0x0  }
0x2c: {  	s31 =	simm.s32 $0xA0;
	[sflag:s19] =	ssyncadd.s32 $0xFFFFD800  }
0x2d: {  	[tilespmem:s15], [sflag:$0x1] =	stream.indirect.gather [hbm4b:s4+s14], $0x80, s31, s14, $0xb8;
	[tilespmem:$0x1F780] =	vst v63  }
0x2e: {  	_ =	swait.ge [sflag:s20], $0x2800  }
0x2f: {  	s28 =	simm.s32 $0x400;
	[sflag:s20] =	ssyncset.done $0x0  }
0x30: {  	s29 =	simm.s32 $0x190;
	s26 =	simm.s32 $0xF0;
	[sflag:s20] =	ssyncadd.s32 $0xFFFFD800  }
.LBB2_2:
0x31: {  	[tilespmem:s16], [sflag:$0x2] =	stream.indirect.gather [hbm4b:s4+s14], $0x80, s26, s14, $0xb8;
	[tilespmem:$0x1F780] =	vst v63  }
0x32: {  	s30 =	smov.u32 s28;
	s26 =	smov.u32 s29  }
0x33: {  	p0 =	sne.s32 s28, $0xF000;
	s28 =	sadd.s32 $0x400, s28;
	_ =	swait.ge [sflag:s17], $0x2800  }
0x34: {  	s30 =	sshra.s32 s30, $0x2;
	[sflag:s17] =	ssyncset.done $0x0  }
0x35: {  	s31 =	sadd.s32 $0x2780, s30;
	[sflag:s17] =	ssyncadd.s32 $0xFFFFD800  }
0x36: {  	[spmem:s2] =	stream.indirect.scatter.add.f32 [tilespmem:s15], [sflag:$0x3], $0x80, s31, s14, $0xb8;
	[tilespmem:$0x1F780] =	vst v63  }
0x37: {  	_ =	swait.ge [sflag:s18], $0x2800  }
0x38: {  	[sflag:s18] =	ssyncset.done $0x0  }
0x39: {  	s30 =	sadd.s32 $0x2800, s30;
	[sflag:s18] =	ssyncadd.s32 $0xFFFFD800  }
0x3a: {  	[spmem:s2] =	stream.indirect.scatter.add.f32 [tilespmem:s16], [sflag:$0x4], $0x80, s30, s14, $0xb8;
	[tilespmem:$0x1F780] =	vst v63  }
0x3b: {  	_ =	swait.ge [sflag:s19], $0x2800  }
0x3c: {  	[sflag:s19] =	ssyncset.done $0x0  }
.Ltmp0:
0x3d: {  	s30 =	sadd.s32 $0xFFFFFFB0, s29;
	[sflag:s19] =	ssyncadd.s32 $0xFFFFD800;
	(pc) =	sbr.rel @p0 .LBB2_2-.Ltmp0, $4  }
0x3e: {  	[tilespmem:s15], [sflag:$0x1] =	stream.indirect.gather [hbm4b:s4+s14], $0x80, s30, s14, $0xb8;
	[tilespmem:$0x1F780] =	vst v63  }
0x3f: {  	_ =	swait.ge [sflag:s20], $0x2800  }
0x40: {  	[sflag:s20] =	ssyncset.done $0x0  }
0x41: {  	s29 =	sadd.s32 $0xA0, s29;
	[sflag:s20] =	ssyncadd.s32 $0xFFFFD800  }
0x42: {  	[tilespmem:s16], [sflag:$0x2] =	stream.indirect.gather [hbm4b:s4+s14], $0x80, s26, s14, $0xb8;
	[tilespmem:$0x1F780] =	vst v63  }
0x43: {  	_ =	swait.ge [sflag:s17], $0x2800  }
0x44: {  	[sflag:s17] =	ssyncset.done $0x0  }
0x45: {  	[sflag:s17] =	ssyncadd.s32 $0xFFFFD800  }
0x46: {  	[spmem:s2] =	stream.indirect.scatter.add.f32 [tilespmem:s15], [sflag:$0x3], $0x80, s21, s14, $0xb8;
	[tilespmem:$0x1F780] =	vst v63  }
0x47: {  	_ =	swait.ge [sflag:s18], $0x2800  }
0x48: {  	[sflag:s18] =	ssyncset.done $0x0  }
0x49: {  	[sflag:s18] =	ssyncadd.s32 $0xFFFFD800  }
0x4a: {  	[spmem:s2] =	stream.indirect.scatter.add.f32 [tilespmem:s16], [sflag:$0x4], $0x80, s22, s14, $0xb8;
	[tilespmem:$0x1F780] =	vst v63  }
0x4b: {  	_ =	swait.ge [sflag:s19], $0x2800  }
0x4c: {  	[sflag:s19] =	ssyncset.done $0x0  }
0x4d: {  	[sflag:s19] =	ssyncadd.s32 $0xFFFFD800  }
0x4e: {  	[tilespmem:s15], [sflag:$0x1] =	stream.indirect.gather [hbm4b:s4+s14], $0x80, s23, s14, $0xb8;
	[tilespmem:$0x1F780] =	vst v63  }
0x4f: {  	_ =	swait.ge [sflag:s20], $0x2800  }
0x50: {  	[sflag:s20] =	ssyncset.done $0x0  }
0x51: {  	[sflag:s20] =	ssyncadd.s32 $0xFFFFD800  }
0x52: {  	_ =	swait.ge [sflag:s17], $0x2800  }
0x53: {  	[sflag:s17] =	ssyncset.done $0x0  }
0x54: {  	[sflag:s17] =	ssyncadd.s32 $0xFFFFD800  }
0x55: {  	[spmem:s2] =	stream.indirect.scatter.add.f32 [tilespmem:s15], [sflag:$0x3], $0x80, s24, s14, $0xb8;
	[tilespmem:$0x1F780] =	vst v63  }
0x56: {  	_ =	swait.ge [sflag:s19], $0x2800  }
0x57: {  	s25 =	sadd.s32 $0x1, s25;
	[sflag:s19] =	ssyncset.done $0x0  }
0x58: {  	p0 =	sne.s32 s25, s9;
	[sflag:s19] =	ssyncadd.s32 $0xFFFFD800  }
.Ltmp1:
0x59: {  	[bflag:$0x0] =	sbarrier.arrive $0xFFFF;
	(pc) =	sbr.rel @p0 .LBB2_1-.Ltmp1, $4  }
0x5a: {  	[hbm:s8], [sflag:s12] =	dma.local [spmem:s13], $0x2800  }
0x5b: {  	_ =	swait.ge [sflag:s10], $0x2800  }
0x5c: {  	[sflag:s10] =	ssyncset.done $0x0  }
0x5d: {  	[sflag:s10] =	ssyncadd.s32 $0xFFFFD800  }
0x5e: {  	_ =	sfence.sel $0x180000  }
0x5f: {  	[bflag:$0x0] =	sbarrier.arrive $0xFFFF  }
0x60: {  	p0 =	sne.s32 s0, $0x0;
	_ =	strace $0x9000004A  }
0x61: {  	s0 =	sadd.s32 @!p0 $0x100000, s1;
	[bflag:$0x2] =	sbarrier.arrive $0xFFFF  }
0x62: {  	[sflag:s0] =	ssyncadd.tile.s32 @!p0 $0x1;
	_ =	shalt  }
.Lfunc_end2:
_tile_overlayer_lowered:
.L_overlay_start_2:
0x63: {  	(tag) =	ssettag $0x2  }
0x64: {  	s0 =	rddreg [dreg:$0x0];
	s2 =	stileid.u32  }
0x65: {  	s1 =	rddreg [dreg:$0x1];
	p0 =	sne.s32 s2, $0x0  }
0x66: {  	s3 =	rddreg [dreg:$0x2];
	[bflag:$0x3] =	sbarrier.arrive $0xFFFF;
	s2 =	simm.s32 @!p0 $0x1C05  }
0x67: {  	[timem:s3], [sflag:s2] =	dma.local @!p0 [hbm:s0], s1  }
0x68: {  	s0 =	simm.s32 @!p0 $0x5  }
0x69: {  	_ =	swait.ge @!p0 [sflag:s0], s1  }
0x6a: {  	s1 =	ssub.s32 @!p0 $0x0, s1;
	[sflag:s0] =	ssyncset.done @!p0 $0x0  }
0x6b: {  	[sflag:s0] =	ssyncadd.s32 @!p0 s1  }
0x6c: {  	[bflag:$0x3] =	sbarrier.arrive $0xFFFF  }
0x6d: {  	_ =	shalt  }

// kernel: kernel.15.cloned.1.call-start
scs
__scs_entry_jumppad:
0x0: {  	(pc) =	sbr.rel $0x88, $3  }
0x1: {  	(tag) =	ssettag $0x0;
	lr =	simm.s32 $0x1  }
0x2: {  	[smem:$0x3F8C] =	sst lr;
	_ =	strace $0xD0000000  }
0x3: {  	_ = 	snop  }
0x4: {  	_ = 	snop  }
0x5: {  	_ = 	snop  }
0x6: {  	_ = 	snop  }
0x7: {  	_ = 	snop  }
__scs_overlays_trampoline_lowered:
0x8: {  	[smem:$0x3F9B] =	sst s0  }
0x9: {  	[smem:$0x3F9C] =	sst s1  }
0xa: {  	[smem:$0x3F9D] =	sst s2  }
0xb: {  	[smem:$0x3F9E] =	sst s3  }
0xc: {  	[smem:$0x3F9F] =	sst s4  }
0xd: {  	[smem:$0x3FA0] =	sst s5  }
0xe: {  	[smem:$0x3FA1] =	sst s6  }
0xf: {  	[smem:$0x3FA2] =	sst s7  }
0x10: {  	[smem:$0x3FA3] =	sst s8  }
0x11: {  	[smem:$0x3FA4] =	sst s9;
	s0 =	simm.s32 @!p0 $0x0  }
0x12: {  	s1 =	sld [smem:$0x3F8A];
	s0 =	simm.s32 @p0 $0x1  }
0x13: {  	[smem:$0x3FA5] =	sst s0;
	s0 =	simm.s32 @!p1 $0x0  }
0x14: {  	s2 =	sld [smem:$0x3F89];
	s0 =	simm.s32 @p1 $0x1  }
0x15: {  	[smem:$0x3FA6] =	sst s0;
	s0 =	simm.s32 @!p2 $0x0  }
0x16: {  	s3 =	sld [smem:$0x3FDB];
	s0 =	simm.s32 @p2 $0x1  }
0x17: {  	s4 =	simm.s32 $0x1BF5;
	[smem:$0x3FA8] =	sst s0  }
0x18: {  	s0 =	sld [smem:$0x3F8B];
	_ =	swait.ge [sflag:s4], $0x0  }
0x19: {  	s7 =	sld [smem:$0x3F8C]  }
0x1a: {  	s8 =	sadd.s32 $0xFFFFE003, lr  }
0x1b: {  	s9 =	sadd.s32 $0xFFFFFEF7, lr;
	s5 =	simm.s32 $0xFFFFFFFF;
	p2 =	slt.u32 s8, $0xFFFFF086  }
0x1c: {  	p1 =	slt.u32 s9, $0xF7A;
	s5 =	simm.s32 @!p2 $0x0  }
0x1d: {  	s5 =	simm.s32 @p1 $0x1;
	p0 =	seq.s32 s7, s2  }
0x1e: {  	s7 =	smul.u32 @!p0 $0xF7A, s2;
	p2 =	seq.s32 @!p0 s5, $0x0  }
0x1f: {  	s9 =	smul.u32 $0xF7A, s1;
	s8 =	simm.s32 @!p0 $0x1BF5;
	p2 =	por !p2, p0  }
0x20: {  	[sflag:s8] =	ssyncset.s32 @!p0 $0xFFFFF086;
	s6 =	sadd.s32 @!p0 s3, s7;
	s7 =	simm.s32 @!p0 $0x108  }
0x21: {  	s3 =	sadd.s32 s3, s9;
	s6 =	sadd.s32 @!p0 $0x88, s6;
	s7 =	simm.s32 @p2 $0x1082  }
0x22: {  	[simem:s7], [sflag:s8] =	dma.local @!p0 [hbm:s6], $0xF7A  }
0x23: {  	s9 =	sor.u32 $0xD0000000, s2;
	s6 =	simm.s32 $0x108;
	_ =	swait.ge @!p0 [sflag:s8], $0x0  }
0x24: {  	s3 =	sadd.s32 $0x88, s3;
	s6 =	simm.s32 @!p1 $0x1082;
	[sflag:s4] =	ssyncset.s32 $0xFFFFF086  }
0x25: {  	[simem:s6], [sflag:s4] =	dma.local [hbm:s3], $0xF7A  }
0x26: {  	[smem:$0x3F8C] =	sst s1;
	(tag) =	ssettag s2;
	_ =	strace s9  }
0x27: {  	s1 =	sld [smem:$0x3F9C]  }
0x28: {  	s2 =	sld [smem:$0x3F9D]  }
0x29: {  	s4 =	sld [smem:$0x3F9F]  }
0x2a: {  	p0 =	seq.s32 s5, $0x0;
	s5 =	sld [smem:$0x3FA0]  }
0x2b: {  	s6 =	sld [smem:$0x3FA1]  }
0x2c: {  	s7 =	sld [smem:$0x3FA2]  }
0x2d: {  	s3 =	simm.s32 $0x108;
	s8 =	sld [smem:$0x3FA3]  }
0x2e: {  	s3 =	simm.s32 @!p0 $0x1082;
	s9 =	sld [smem:$0x3FA4]  }
0x2f: {  	lr =	sadd.s32 s0, s3;
	s0 =	sld [smem:$0x3F9B]  }
0x30: {  	s3 =	sld [smem:$0x3F9E]  }
0x31: {  	[smem:$0x3FA7] =	sst s10  }
0x32: {  	s10 =	sld [smem:$0x3FA5];
	_ =	sdelay $0x3  }
0x33: {  	p0 =	seq.s32 s10, $0x1;
	s10 =	sld [smem:$0x3FA7];
	_ =	sdelay $0x3  }
0x34: {  	[smem:$0x3FA7] =	sst s10  }
0x35: {  	s10 =	sld [smem:$0x3FA6];
	_ =	sdelay $0x3  }
0x36: {  	p1 =	seq.s32 s10, $0x1;
	s10 =	sld [smem:$0x3FA7];
	_ =	sdelay $0x3  }
0x37: {  	[smem:$0x3FA7] =	sst s10  }
0x38: {  	s10 =	sld [smem:$0x3FA8]  }
0x39: {  	_ = 	snop;
	(pc) =	sbr.ind lr, $3  }
0x3a: {  	_ = 	snop  }
0x3b: {  	_ = 	snop  }
0x3c: {  	p2 =	seq.s32 s10, $0x1;
	s10 =	sld [smem:$0x3FA7]  }
0x3d: {  	_ =	shalt  }
0x3e: {  	_ =	shalt  }
0x3f: {  	_ =	shalt  }
0x40: {  	_ =	shalt  }
0x41: {  	_ =	shalt  }
0x42: {  	_ =	shalt  }
0x43: {  	_ =	shalt  }
0x44: {  	_ =	shalt  }
0x45: {  	_ =	shalt  }
0x46: {  	_ =	shalt  }
0x47: {  	_ =	shalt  }
0x48: {  	_ =	shalt  }
0x49: {  	_ =	shalt  }
0x4a: {  	_ =	shalt  }
0x4b: {  	_ =	shalt  }
0x4c: {  	_ =	shalt  }
0x4d: {  	_ =	shalt  }
0x4e: {  	_ =	shalt  }
0x4f: {  	_ =	shalt  }
0x50: {  	_ =	shalt  }
0x51: {  	_ =	shalt  }
0x52: {  	_ =	shalt  }
0x53: {  	_ =	shalt  }
0x54: {  	_ =	shalt  }
0x55: {  	_ =	shalt  }
0x56: {  	_ =	shalt  }
0x57: {  	_ =	shalt  }
0x58: {  	_ =	shalt  }
0x59: {  	_ =	shalt  }
0x5a: {  	_ =	shalt  }
0x5b: {  	_ =	shalt  }
0x5c: {  	_ =	shalt  }
0x5d: {  	_ =	shalt  }
0x5e: {  	_ =	shalt  }
0x5f: {  	_ =	shalt  }
0x60: {  	_ =	shalt  }
0x61: {  	_ =	shalt  }
0x62: {  	_ =	shalt  }
0x63: {  	_ =	shalt  }
0x64: {  	_ =	shalt  }
0x65: {  	_ =	shalt  }
0x66: {  	_ =	shalt  }
0x67: {  	_ =	shalt  }
0x68: {  	_ =	shalt  }
0x69: {  	_ =	shalt  }
0x6a: {  	_ =	shalt  }
0x6b: {  	_ =	shalt  }
0x6c: {  	_ =	shalt  }
0x6d: {  	_ =	shalt  }
0x6e: {  	_ =	shalt  }
0x6f: {  	_ =	shalt  }
0x70: {  	_ =	shalt  }
0x71: {  	_ =	shalt  }
0x72: {  	_ =	shalt  }
0x73: {  	_ =	shalt  }
0x74: {  	_ =	shalt  }
0x75: {  	_ =	shalt  }
0x76: {  	_ =	shalt  }
0x77: {  	_ =	shalt  }
0x78: {  	_ =	shalt  }
0x79: {  	_ =	shalt  }
0x7a: {  	_ =	shalt  }
0x7b: {  	_ =	shalt  }
0x7c: {  	_ =	shalt  }
0x7d: {  	_ =	shalt  }
0x7e: {  	_ =	shalt  }
0x7f: {  	_ =	shalt  }
0x80: {  	_ =	shalt  }
0x81: {  	_ =	shalt  }
0x82: {  	_ =	shalt  }
0x83: {  	_ =	shalt  }
0x84: {  	_ =	shalt  }
0x85: {  	_ =	shalt  }
0x86: {  	_ =	shalt  }
0x87: {  	_ =	shalt  }
.Lfunc_end0:
.L_simem_size_0:
called_computation.2_lowered:
.L_overlay_start_0:
0x88: {  	s2 =	sld [smem:$0x3FD9]  }
0x89: {  	s3 =	sld [smem:$0x3FFE];
	_ =	sdelay $0x1  }
0x8a: {  	s1 =	srdreg.scid  }
0x8b: {  	s0 =	sand.u32 $0x1, s1  }
0x8c: {  	s16 =	sshll.u32 s0, $0xA;
	s2 =	sadd.s32 s3, s2  }
0x8d: {  	s2 =	sadd.s32 s2, s16  }
0x8e: {  	[smem:$0x3FB3] =	sst s2  }
0x8f: {  	_ = 	snop  }
0x90: {  	(tm) =	ssettm $0x1  }
0x91: {  	s17 =	sld [smem:$0x3FFB];
	_ =	sdelay $0x3  }
0x92: {  	_ =	strace s17  }
0x93: {  	s2 =	sld [smem:$0x3FFC];
	_ =	sdelay $0x3  }
0x94: {  	_ =	strace s2  }
0x95: {  	s2 =	sld [smem:$0x3FFD];
	_ =	sdelay $0x3  }
0x96: {  	_ =	strace s2  }
0x97: {  	_ =	strace $0x8FFFFFFF  }
0x98: {  	s18 =	sld [smem:$0x3FDB];
	_ =	sdelay $0x1  }
0x99: {  	s19 =	simm.s32 $_scs_section_size  }
0x9a: {  	s4 =	simm.s32 $_size__tile_overlayer_lowered;
	s5 =	simm.s32 $_tile_overlayer_lowered  }
0x9b: {  	s22 =	simm.s32 $0x1BFF;
	s21 =	sshll.u32 s5, $0x1;
	s2 =	sadd.s32 s19, s18  }
0x9c: {  	s6 =	simm.s32 $0x0;
	s20 =	sshll.u32 s4, $0x1;
	s4 =	sadd.s32 s21, s2  }
0x9d: {  	[timem:s6], [sflag:s22] =	dma.local [hbm:s4], s20  }
0x9e: {  	_ =	swait.ge [sflag:s22], s20  }
0x9f: {  	s3 =	ssub.s32 $0x0, s20;
	[sflag:s22] =	ssyncset.done $0x0  }
0xa0: {  	[sflag:s22] =	ssyncadd.s32 s3;
	_ =	sdelay $0x1  }
0xa1: {  	s23 =	simm.s32 $0x1B8B  }
0xa2: {  	_ =	swait.ge [sflag:s23], $0x1  }
0xa3: {  	[sflag:s23] =	ssyncset.done $0x0  }
0xa4: {  	s25 =	simm.s32 $0x1B8E;
	s24 =	sld [smem:$0x3FFE];
	[sflag:s23] =	ssyncadd.s32 $0xFFFFFFFF  }
0xa5: {  	s26 =	simm.s32 $execute0_lowered;
	[smem:$0x3FD2] =	sst s25  }
0xa6: {  	s4 =	sshll.u32 s26, $0x1;
	_ =	strace $0x8000004C;
	[dreg:$0x1] =	wrdreg $0xFFFFFFFF  }
0xa7: {  	s28 =	simm.s32 $_size_execute0_lowered;
	s2 =	sadd.s32 s2, s4;
	[dreg:$0x0] =	wrdreg $0x0  }
0xa8: {  	s4 =	sshll.u32 s28, $0x1;
	[dreg:$0x2] =	wrdreg s2  }
0xa9: {  	[dreg:$0x3] =	wrdreg s4  }
0xaa: {  	[dreg:$0x4] =	wrdreg $0xC0  }
0xab: {  	_ =	task [dreg:s6], $0x5FFFF  }
0xac: {  	[dreg:$0x1] =	wrdreg $0xFFFFFFFF  }
0xad: {  	[dreg:$0x0] =	wrdreg $0x60  }
0xae: {  	[dreg:$0x2] =	wrdreg s24  }
0xaf: {  	[dreg:$0x3] =	wrdreg $0x8F000  }
0xb0: {  	[dreg:$0x4] =	wrdreg $0x9  }
0xb1: {  	_ =	task.clear_ibuf [dreg:s6], $0x5FFFF;
	_ =	strace $0x9000004C  }
0xb2: {  	s29 =	simm.s32 $0x9;
	_ =	strace $0x8000004E  }
0xb3: {  	_ =	swait.ge [sflag:s29], $0x1  }
0xb4: {  	[sflag:s29] =	ssyncadd.s32 $0xFFFFFFFF  }
0xb5: {  	_ =	strace $0x9000004E  }
0xb6: {  	_ =	sfence  }
0xb7: {  	s30 =	sld [smem:$0x0];
	_ =	sdelay $0x2  }
0xb8: {  	s31 =	sshll.u32 s1, $0xD;
	s1 =	sshrl.u32 s1, $0x2  }
0xb9: {  	s3 =	sand.u32 $0x4000, s31;
	s1 =	sadd.s32 s1, s30  }
0xba: {  	s0 =	sor.u32 s3, s0;
	s1 =	sshll.u32 s1, $0x11  }
0xbb: {  	s0 =	sor.u32 s1, s0  }
0xbc: {  	s0 =	sadd.s32 $0x8F2B, s0  }
0xbd: {  	[sflag:s0] =	ssyncadd.remote.s32 $0x1  }
0xbe: {  	_ =	sfence.sel $0xFFFF  }
0xbf: {  	[dreg:$0x0] =	wrdreg $0xFFFFFFFF;
	(pc) =	sbr.abs _section_cstart, $3  }
0xc0: {  	[dreg:$0x1] =	wrdreg $0xFFFFFFFF  }
0xc1: {  	_ =	task.clear_ibuf [dreg:s6], $0x2FFFF;
	_ =	strace $0x9FFFFFFF  }
0xc2: {  	(tm) =	ssettm $0x7FFFFFFF  }
0xc3: {  	_ =	shalt  }
tec
execute0_lowered:
.L_overlay_start_1:
0x0: {  	(tag) =	ssettag $0x1  }
0x1: {  	s1 =	srdreg.scid  }
0x2: {  	s0 =	stileid.u32;
	s6 =	rddreg [dreg:$0x0]  }
0x3: {  	s2 =	rddreg [dreg:$0x1];
	s3 =	simm.s32 $0x0;
	s14 =	simm.s32 $0x80  }
0x4: {  	s15 =	simm.s32 $0x4F00;
	s16 =	simm.s32 $0x6F00;
	s17 =	simm.s32 $0x1  }
0x5: {  	s18 =	simm.s32 $0x2;
	s19 =	simm.s32 $0x3;
	s20 =	simm.s32 $0x4  }
0x6: {  	s21 =	simm.s32 $0x4D80;
	s22 =	simm.s32 $0x4E00;
	s23 =	simm.s32 $0x2700  }
0x7: {  	s24 =	simm.s32 $0x4E80;
	s25 =	simm.s32 $0x0;
	s5 =	sand.u32 $0x1, s1  }
0x8: {  	s31 =	sshll.u32 s0, $0x1;
	s8 =	smul.u32 $0xA000, s0;
	[smem:$0x7FF] =	sst s3  }
0x9: {  	s4 =	sadd.s32 $0x20C00, s6;
	s12 =	sshll.u32 s0, $0x6;
	s1 =	sor.u32 s5, s31  }
0xa: {  	s9 =	smul.u32 $0xA0000, s5;
	s10 =	ssub.s32 $0x2, s5;
	s5 =	sadd.s32 $0x3200, s6  }
0xb: {  	s12 =	sor.u32 $0x1C05, s12;
	s7 =	smul.u32 $0x4F0, s1;
	s1 =	rddreg [dreg:$0x2]  }
0xc: {  	_ =	strace $0x8000004D;
	s11 =	sshrl.u32 s10, $0x1;
	s13 =	sadd.s32 s8, s2  }
0xd: {  	s9 =	sadd.s32 s8, s9;
	s10 =	ssub.s32 s10, s11;
	s11 =	simm.s32 $0x2780  }
0xe: {  	s13 =	sshrl.u32 s13, $0x3;
	s7 =	sadd.s32 s7, s6;
	s9 =	sshrl.u32 s9, $0x3  }
0xf: {  	s9 =	sadd.s32 s9, s6;
	s6 =	sadd.s32 $0x16E00, s7;
	s7 =	sadd.s32 $0xD000, s7  }
0x10: {  	s8 =	sadd.s32 $0x34600, s9;
	s9 =	smax.u32 s10, $0x1;
	s10 =	simm.s32 $0x5  }
.LBB2_1:
0x11: {  	[tilespmem:s3], [sflag:$0x5] =	stream.linear.gather [hbm4b:s6+s3], $0x2780, $0x38;
	[tilespmem:$0x12F00] =	vst v63  }
0x12: {  	_ =	swait.ge [sflag:s10], $0x2780  }
0x13: {  	[sflag:s10] =	ssyncset.done $0x0  }
0x14: {  	[sflag:s10] =	ssyncadd.s32 $0xFFFFD880  }
0x15: {  	[tilespmem:s11], [sflag:$0x5] =	stream.linear.gather [hbm4b:s7+s3], $0x2780, $0x38;
	[tilespmem:$0x12F00] =	vst v63  }
0x16: {  	_ =	swait.ge [sflag:s10], $0x2780  }
0x17: {  	[sflag:s10] =	ssyncset.done $0x0  }
0x18: {  	[sflag:s10] =	ssyncadd.s32 $0xFFFFD880  }
0x19: {  	[spmem:s13], [sflag:s12] =	dma.local [hbm:s5], $0x1400  }
0x1a: {  	_ =	swait.ge [sflag:s10], $0x1400  }
0x1b: {  	[sflag:s10] =	ssyncset.done $0x0  }
0x1c: {  	[sflag:s10] =	ssyncadd.s32 $0xFFFFEC00  }
0x1d: {  	[bflag:$0x0] =	sbarrier.arrive $0xFFFF  }
0x1e: {  	[tilespmem:s15], [sflag:$0x1] =	stream.indirect.gather [hbm4b:s4+s14], $0x40, s3, s14, $0xb8;
	[tilespmem:$0x12F00] =	vst v63  }
0x1f: {  	_ = 	snop  }
0x20: {  	[tilespmem:s16], [sflag:$0x2] =	stream.indirect.gather [hbm4b:s4+s14], $0x40, s14, s14, $0xb8;
	[tilespmem:$0x12F00] =	vst v63  }
0x21: {  	_ =	swait.ge [sflag:s17], $0x2000  }
0x22: {  	[sflag:s17] =	ssyncset.done $0x0  }
0x23: {  	s26 =	simm.s32 $0x2780;
	[sflag:s17] =	ssyncadd.s32 $0xFFFFE000  }
0x24: {  	[spmem:s2] =	stream.indirect.scatter.add.f32 [tilespmem:s15], [sflag:$0x3], $0x40, s26, s14, $0xb8;
	[tilespmem:$0x12F00] =	vst v63  }
0x25: {  	_ =	swait.ge [sflag:s18], $0x2000  }
0x26: {  	[sflag:s18] =	ssyncset.done $0x0  }
0x27: {  	s30 =	simm.s32 $0x2800;
	[sflag:s18] =	ssyncadd.s32 $0xFFFFE000  }
0x28: {  	[spmem:s2] =	stream.indirect.scatter.add.f32 [tilespmem:s16], [sflag:$0x4], $0x40, s30, s14, $0xb8;
	[tilespmem:$0x12F00] =	vst v63  }
0x29: {  	_ =	swait.ge [sflag:s19], $0x2000  }
0x2a: {  	[sflag:s19] =	ssyncset.done $0x0  }
0x2b: {  	s31 =	simm.s32 $0x100;
	[sflag:s19] =	ssyncadd.s32 $0xFFFFE000  }
0x2c: {  	[tilespmem:s15], [sflag:$0x1] =	stream.indirect.gather [hbm4b:s4+s14], $0x40, s31, s14, $0xb8;
	[tilespmem:$0x12F00] =	vst v63  }
0x2d: {  	_ =	swait.ge [sflag:s20], $0x2000  }
0x2e: {  	[sflag:s20] =	ssyncset.done $0x0  }
0x2f: {  	s28 =	simm.s32 $0x180;
	s26 =	simm.s32 $0x400;
	[sflag:s20] =	ssyncadd.s32 $0xFFFFE000  }
.LBB2_2:
0x30: {  	[tilespmem:s16], [sflag:$0x2] =	stream.indirect.gather [hbm4b:s4+s14], $0x40, s28, s14, $0xb8;
	[tilespmem:$0x12F00] =	vst v63  }
0x31: {  	s28 =	smov.u32 s26  }
0x32: {  	p0 =	sne.s32 s26, $0x9400;
	s26 =	sadd.s32 $0x400, s26;
	_ =	swait.ge [sflag:s17], $0x2000  }
0x33: {  	s28 =	sshra.s32 s28, $0x2;
	[sflag:s17] =	ssyncset.done $0x0  }
0x34: {  	s29 =	sadd.s32 $0x2780, s28;
	[sflag:s17] =	ssyncadd.s32 $0xFFFFE000  }
0x35: {  	[spmem:s2] =	stream.indirect.scatter.add.f32 [tilespmem:s15], [sflag:$0x3], $0x40, s29, s14, $0xb8;
	[tilespmem:$0x12F00] =	vst v63  }
0x36: {  	_ =	swait.ge [sflag:s18], $0x2000  }
0x37: {  	[sflag:s18] =	ssyncset.done $0x0  }
0x38: {  	s29 =	sadd.s32 $0x2800, s28;
	[sflag:s18] =	ssyncadd.s32 $0xFFFFE000  }
0x39: {  	[spmem:s2] =	stream.indirect.scatter.add.f32 [tilespmem:s16], [sflag:$0x4], $0x40, s29, s14, $0xb8;
	[tilespmem:$0x12F00] =	vst v63  }
0x3a: {  	_ =	swait.ge [sflag:s19], $0x2000  }
0x3b: {  	[sflag:s19] =	ssyncset.done $0x0  }
.Ltmp0:
0x3c: {  	s29 =	sadd.s32 $0x100, s28;
	[sflag:s19] =	ssyncadd.s32 $0xFFFFE000;
	(pc) =	sbr.rel @p0 .LBB2_2-.Ltmp0, $4  }
0x3d: {  	[tilespmem:s15], [sflag:$0x1] =	stream.indirect.gather [hbm4b:s4+s14], $0x40, s29, s14, $0xb8;
	[tilespmem:$0x12F00] =	vst v63  }
0x3e: {  	_ =	swait.ge [sflag:s20], $0x2000  }
0x3f: {  	[sflag:s20] =	ssyncset.done $0x0  }
0x40: {  	s28 =	sadd.s32 $0x180, s28;
	[sflag:s20] =	ssyncadd.s32 $0xFFFFE000  }
0x41: {  	[tilespmem:s16], [sflag:$0x2] =	stream.indirect.gather [hbm4b:s4+s14], $0x40, s28, s14, $0xb8;
	[tilespmem:$0x12F00] =	vst v63  }
0x42: {  	_ =	swait.ge [sflag:s17], $0x2000  }
0x43: {  	[sflag:s17] =	ssyncset.done $0x0  }
0x44: {  	[sflag:s17] =	ssyncadd.s32 $0xFFFFE000  }
0x45: {  	[spmem:s2] =	stream.indirect.scatter.add.f32 [tilespmem:s15], [sflag:$0x3], $0x40, s21, s14, $0xb8;
	[tilespmem:$0x12F00] =	vst v63  }
0x46: {  	_ =	swait.ge [sflag:s18], $0x2000  }
0x47: {  	[sflag:s18] =	ssyncset.done $0x0  }
0x48: {  	[sflag:s18] =	ssyncadd.s32 $0xFFFFE000  }
0x49: {  	[spmem:s2] =	stream.indirect.scatter.add.f32 [tilespmem:s16], [sflag:$0x4], $0x40, s22, s14, $0xb8;
	[tilespmem:$0x12F00] =	vst v63  }
0x4a: {  	_ =	swait.ge [sflag:s19], $0x2000  }
0x4b: {  	[sflag:s19] =	ssyncset.done $0x0  }
0x4c: {  	[sflag:s19] =	ssyncadd.s32 $0xFFFFE000  }
0x4d: {  	[tilespmem:s15], [sflag:$0x1] =	stream.indirect.gather [hbm4b:s4+s14], $0x40, s23, s14, $0xb8;
	[tilespmem:$0x12F00] =	vst v63  }
0x4e: {  	_ =	swait.ge [sflag:s20], $0x2000  }
0x4f: {  	[sflag:s20] =	ssyncset.done $0x0  }
0x50: {  	[sflag:s20] =	ssyncadd.s32 $0xFFFFE000  }
0x51: {  	_ =	swait.ge [sflag:s17], $0x2000  }
0x52: {  	[sflag:s17] =	ssyncset.done $0x0  }
0x53: {  	[sflag:s17] =	ssyncadd.s32 $0xFFFFE000  }
0x54: {  	[spmem:s2] =	stream.indirect.scatter.add.f32 [tilespmem:s15], [sflag:$0x3], $0x40, s24, s14, $0xb8;
	[tilespmem:$0x12F00] =	vst v63  }
0x55: {  	_ =	swait.ge [sflag:s19], $0x2000  }
0x56: {  	s25 =	sadd.s32 $0x1, s25;
	[sflag:s19] =	ssyncset.done $0x0  }
0x57: {  	p0 =	sne.s32 s25, s9;
	[sflag:s19] =	ssyncadd.s32 $0xFFFFE000  }
.Ltmp1:
0x58: {  	[bflag:$0x0] =	sbarrier.arrive $0xFFFF;
	(pc) =	sbr.rel @p0 .LBB2_1-.Ltmp1, $4  }
0x59: {  	[hbm:s8], [sflag:s12] =	dma.local [spmem:s13], $0x1400  }
0x5a: {  	_ =	swait.ge [sflag:s10], $0x1400  }
0x5b: {  	[sflag:s10] =	ssyncset.done $0x0  }
0x5c: {  	[sflag:s10] =	ssyncadd.s32 $0xFFFFEC00  }
0x5d: {  	_ =	sfence.sel $0x180000  }
0x5e: {  	[bflag:$0x0] =	sbarrier.arrive $0xFFFF  }
0x5f: {  	p0 =	sne.s32 s0, $0x0;
	_ =	strace $0x9000004D  }
0x60: {  	s0 =	sadd.s32 @!p0 $0x100000, s1;
	[bflag:$0x2] =	sbarrier.arrive $0xFFFF  }
0x61: {  	[sflag:s0] =	ssyncadd.tile.s32 @!p0 $0x1;
	_ =	shalt  }
.Lfunc_end2:
_tile_overlayer_lowered:
.L_overlay_start_2:
0x62: {  	(tag) =	ssettag $0x2  }
0x63: {  	s0 =	rddreg [dreg:$0x0];
	s2 =	stileid.u32  }
0x64: {  	s1 =	rddreg [dreg:$0x1];
	p0 =	sne.s32 s2, $0x0  }
0x65: {  	s3 =	rddreg [dreg:$0x2];
	[bflag:$0x3] =	sbarrier.arrive $0xFFFF;
	s2 =	simm.s32 @!p0 $0x1C05  }
0x66: {  	[timem:s3], [sflag:s2] =	dma.local @!p0 [hbm:s0], s1  }
0x67: {  	s0 =	simm.s32 @!p0 $0x5  }
0x68: {  	_ =	swait.ge @!p0 [sflag:s0], s1  }
0x69: {  	s1 =	ssub.s32 @!p0 $0x0, s1;
	[sflag:s0] =	ssyncset.done @!p0 $0x0  }
0x6a: {  	[sflag:s0] =	ssyncadd.s32 @!p0 s1  }
0x6b: {  	[bflag:$0x3] =	sbarrier.arrive $0xFFFF  }
0x6c: {  	_ =	shalt  }

// kernel: kernel.9.cloned.1.call-start
scs
__scs_entry_jumppad:
0x0: {  	(pc) =	sbr.rel $0x88, $3  }
0x1: {  	(tag) =	ssettag $0x0;
	lr =	simm.s32 $0x1  }
0x2: {  	[smem:$0x3F8C] =	sst lr;
	_ =	strace $0xD0000000  }
0x3: {  	_ = 	snop  }
0x4: {  	_ = 	snop  }
0x5: {  	_ = 	snop  }
0x6: {  	_ = 	snop  }
0x7: {  	_ = 	snop  }
__scs_overlays_trampoline_lowered:
0x8: {  	[smem:$0x3F9B] =	sst s0  }
0x9: {  	[smem:$0x3F9C] =	sst s1  }
0xa: {  	[smem:$0x3F9D] =	sst s2  }
0xb: {  	[smem:$0x3F9E] =	sst s3  }
0xc: {  	[smem:$0x3F9F] =	sst s4  }
0xd: {  	[smem:$0x3FA0] =	sst s5  }
0xe: {  	[smem:$0x3FA1] =	sst s6  }
0xf: {  	[smem:$0x3FA2] =	sst s7  }
0x10: {  	[smem:$0x3FA3] =	sst s8  }
0x11: {  	[smem:$0x3FA4] =	sst s9;
	s0 =	simm.s32 @!p0 $0x0  }
0x12: {  	s1 =	sld [smem:$0x3F8A];
	s0 =	simm.s32 @p0 $0x1  }
0x13: {  	[smem:$0x3FA5] =	sst s0;
	s0 =	simm.s32 @!p1 $0x0  }
0x14: {  	s2 =	sld [smem:$0x3F89];
	s0 =	simm.s32 @p1 $0x1  }
0x15: {  	[smem:$0x3FA6] =	sst s0;
	s0 =	simm.s32 @!p2 $0x0  }
0x16: {  	s3 =	sld [smem:$0x3FDB];
	s0 =	simm.s32 @p2 $0x1  }
0x17: {  	s4 =	simm.s32 $0x1BF5;
	[smem:$0x3FA8] =	sst s0  }
0x18: {  	s0 =	sld [smem:$0x3F8B];
	_ =	swait.ge [sflag:s4], $0x0  }
0x19: {  	s7 =	sld [smem:$0x3F8C]  }
0x1a: {  	s8 =	sadd.s32 $0xFFFFE003, lr  }
0x1b: {  	s9 =	sadd.s32 $0xFFFFFEF7, lr;
	s5 =	simm.s32 $0xFFFFFFFF;
	p2 =	slt.u32 s8, $0xFFFFF086  }
0x1c: {  	p1 =	slt.u32 s9, $0xF7A;
	s5 =	simm.s32 @!p2 $0x0  }
0x1d: {  	s5 =	simm.s32 @p1 $0x1;
	p0 =	seq.s32 s7, s2  }
0x1e: {  	s7 =	smul.u32 @!p0 $0xF7A, s2;
	p2 =	seq.s32 @!p0 s5, $0x0  }
0x1f: {  	s9 =	smul.u32 $0xF7A, s1;
	s8 =	simm.s32 @!p0 $0x1BF5;
	p2 =	por !p2, p0  }
0x20: {  	[sflag:s8] =	ssyncset.s32 @!p0 $0xFFFFF086;
	s6 =	sadd.s32 @!p0 s3, s7;
	s7 =	simm.s32 @!p0 $0x108  }
0x21: {  	s3 =	sadd.s32 s3, s9;
	s6 =	sadd.s32 @!p0 $0x88, s6;
	s7 =	simm.s32 @p2 $0x1082  }
0x22: {  	[simem:s7], [sflag:s8] =	dma.local @!p0 [hbm:s6], $0xF7A  }
0x23: {  	s9 =	sor.u32 $0xD0000000, s2;
	s6 =	simm.s32 $0x108;
	_ =	swait.ge @!p0 [sflag:s8], $0x0  }
0x24: {  	s3 =	sadd.s32 $0x88, s3;
	s6 =	simm.s32 @!p1 $0x1082;
	[sflag:s4] =	ssyncset.s32 $0xFFFFF086  }
0x25: {  	[simem:s6], [sflag:s4] =	dma.local [hbm:s3], $0xF7A  }
0x26: {  	[smem:$0x3F8C] =	sst s1;
	(tag) =	ssettag s2;
	_ =	strace s9  }
0x27: {  	s1 =	sld [smem:$0x3F9C]  }
0x28: {  	s2 =	sld [smem:$0x3F9D]  }
0x29: {  	s4 =	sld [smem:$0x3F9F]  }
0x2a: {  	p0 =	seq.s32 s5, $0x0;
	s5 =	sld [smem:$0x3FA0]  }
0x2b: {  	s6 =	sld [smem:$0x3FA1]  }
0x2c: {  	s7 =	sld [smem:$0x3FA2]  }
0x2d: {  	s3 =	simm.s32 $0x108;
	s8 =	sld [smem:$0x3FA3]  }
0x2e: {  	s3 =	simm.s32 @!p0 $0x1082;
	s9 =	sld [smem:$0x3FA4]  }
0x2f: {  	lr =	sadd.s32 s0, s3;
	s0 =	sld [smem:$0x3F9B]  }
0x30: {  	s3 =	sld [smem:$0x3F9E]  }
0x31: {  	[smem:$0x3FA7] =	sst s10  }
0x32: {  	s10 =	sld [smem:$0x3FA5];
	_ =	sdelay $0x3  }
0x33: {  	p0 =	seq.s32 s10, $0x1;
	s10 =	sld [smem:$0x3FA7];
	_ =	sdelay $0x3  }
0x34: {  	[smem:$0x3FA7] =	sst s10  }
0x35: {  	s10 =	sld [smem:$0x3FA6];
	_ =	sdelay $0x3  }
0x36: {  	p1 =	seq.s32 s10, $0x1;
	s10 =	sld [smem:$0x3FA7];
	_ =	sdelay $0x3  }
0x37: {  	[smem:$0x3FA7] =	sst s10  }
0x38: {  	s10 =	sld [smem:$0x3FA8]  }
0x39: {  	_ = 	snop;
	(pc) =	sbr.ind lr, $3  }
0x3a: {  	_ = 	snop  }
0x3b: {  	_ = 	snop  }
0x3c: {  	p2 =	seq.s32 s10, $0x1;
	s10 =	sld [smem:$0x3FA7]  }
0x3d: {  	_ =	shalt  }
0x3e: {  	_ =	shalt  }
0x3f: {  	_ =	shalt  }
0x40: {  	_ =	shalt  }
0x41: {  	_ =	shalt  }
0x42: {  	_ =	shalt  }
0x43: {  	_ =	shalt  }
0x44: {  	_ =	shalt  }
0x45: {  	_ =	shalt  }
0x46: {  	_ =	shalt  }
0x47: {  	_ =	shalt  }
0x48: {  	_ =	shalt  }
0x49: {  	_ =	shalt  }
0x4a: {  	_ =	shalt  }
0x4b: {  	_ =	shalt  }
0x4c: {  	_ =	shalt  }
0x4d: {  	_ =	shalt  }
0x4e: {  	_ =	shalt  }
0x4f: {  	_ =	shalt  }
0x50: {  	_ =	shalt  }
0x51: {  	_ =	shalt  }
0x52: {  	_ =	shalt  }
0x53: {  	_ =	shalt  }
0x54: {  	_ =	shalt  }
0x55: {  	_ =	shalt  }
0x56: {  	_ =	shalt  }
0x57: {  	_ =	shalt  }
0x58: {  	_ =	shalt  }
0x59: {  	_ =	shalt  }
0x5a: {  	_ =	shalt  }
0x5b: {  	_ =	shalt  }
0x5c: {  	_ =	shalt  }
0x5d: {  	_ =	shalt  }
0x5e: {  	_ =	shalt  }
0x5f: {  	_ =	shalt  }
0x60: {  	_ =	shalt  }
0x61: {  	_ =	shalt  }
0x62: {  	_ =	shalt  }
0x63: {  	_ =	shalt  }
0x64: {  	_ =	shalt  }
0x65: {  	_ =	shalt  }
0x66: {  	_ =	shalt  }
0x67: {  	_ =	shalt  }
0x68: {  	_ =	shalt  }
0x69: {  	_ =	shalt  }
0x6a: {  	_ =	shalt  }
0x6b: {  	_ =	shalt  }
0x6c: {  	_ =	shalt  }
0x6d: {  	_ =	shalt  }
0x6e: {  	_ =	shalt  }
0x6f: {  	_ =	shalt  }
0x70: {  	_ =	shalt  }
0x71: {  	_ =	shalt  }
0x72: {  	_ =	shalt  }
0x73: {  	_ =	shalt  }
0x74: {  	_ =	shalt  }
0x75: {  	_ =	shalt  }
0x76: {  	_ =	shalt  }
0x77: {  	_ =	shalt  }
0x78: {  	_ =	shalt  }
0x79: {  	_ =	shalt  }
0x7a: {  	_ =	shalt  }
0x7b: {  	_ =	shalt  }
0x7c: {  	_ =	shalt  }
0x7d: {  	_ =	shalt  }
0x7e: {  	_ =	shalt  }
0x7f: {  	_ =	shalt  }
0x80: {  	_ =	shalt  }
0x81: {  	_ =	shalt  }
0x82: {  	_ =	shalt  }
0x83: {  	_ =	shalt  }
0x84: {  	_ =	shalt  }
0x85: {  	_ =	shalt  }
0x86: {  	_ =	shalt  }
0x87: {  	_ =	shalt  }
.Lfunc_end0:
.L_simem_size_0:
called_computation_lowered:
.L_overlay_start_0:
0x88: {  	s2 =	sld [smem:$0x3FD9]  }
0x89: {  	s3 =	sld [smem:$0x3FFE];
	_ =	sdelay $0x1  }
0x8a: {  	s1 =	srdreg.scid  }
0x8b: {  	s0 =	sand.u32 $0x1, s1  }
0x8c: {  	s16 =	sshll.u32 s0, $0xA;
	s2 =	sadd.s32 s3, s2  }
0x8d: {  	s2 =	sadd.s32 s2, s16  }
0x8e: {  	[smem:$0x3FB3] =	sst s2  }
0x8f: {  	_ = 	snop  }
0x90: {  	(tm) =	ssettm $0x1  }
0x91: {  	s17 =	sld [smem:$0x3FFB];
	_ =	sdelay $0x3  }
0x92: {  	_ =	strace s17  }
0x93: {  	s2 =	sld [smem:$0x3FFC];
	_ =	sdelay $0x3  }
0x94: {  	_ =	strace s2  }
0x95: {  	s2 =	sld [smem:$0x3FFD];
	_ =	sdelay $0x3  }
0x96: {  	_ =	strace s2  }
0x97: {  	_ =	strace $0x8FFFFFFF  }
0x98: {  	s18 =	sld [smem:$0x3FDB];
	_ =	sdelay $0x1  }
0x99: {  	s19 =	simm.s32 $_scs_section_size  }
0x9a: {  	s4 =	simm.s32 $_size__tile_overlayer_lowered;
	s5 =	simm.s32 $_tile_overlayer_lowered  }
0x9b: {  	s22 =	simm.s32 $0x1BFF;
	s21 =	sshll.u32 s5, $0x1;
	s2 =	sadd.s32 s19, s18  }
0x9c: {  	s6 =	simm.s32 $0x0;
	s20 =	sshll.u32 s4, $0x1;
	s4 =	sadd.s32 s21, s2  }
0x9d: {  	[timem:s6], [sflag:s22] =	dma.local [hbm:s4], s20  }
0x9e: {  	_ =	swait.ge [sflag:s22], s20  }
0x9f: {  	s3 =	ssub.s32 $0x0, s20;
	[sflag:s22] =	ssyncset.done $0x0  }
0xa0: {  	[sflag:s22] =	ssyncadd.s32 s3;
	_ =	sdelay $0x1  }
0xa1: {  	s23 =	simm.s32 $0x1B8B  }
0xa2: {  	_ =	swait.ge [sflag:s23], $0x1  }
0xa3: {  	[sflag:s23] =	ssyncset.done $0x0  }
0xa4: {  	s25 =	simm.s32 $0x1B8E;
	s24 =	sld [smem:$0x3FFE];
	[sflag:s23] =	ssyncadd.s32 $0xFFFFFFFF  }
0xa5: {  	s26 =	simm.s32 $execute0_lowered;
	[smem:$0x3FD2] =	sst s25  }
0xa6: {  	s4 =	sshll.u32 s26, $0x1;
	_ =	strace $0x80000046;
	[dreg:$0x1] =	wrdreg $0xFFFFFFFF  }
0xa7: {  	s28 =	simm.s32 $_size_execute0_lowered;
	s2 =	sadd.s32 s2, s4;
	[dreg:$0x0] =	wrdreg $0x0  }
0xa8: {  	s4 =	sshll.u32 s28, $0x1;
	[dreg:$0x2] =	wrdreg s2  }
0xa9: {  	[dreg:$0x3] =	wrdreg s4  }
0xaa: {  	[dreg:$0x4] =	wrdreg $0xC0  }
0xab: {  	_ =	task [dreg:s6], $0x5FFFF  }
0xac: {  	[dreg:$0x1] =	wrdreg $0xFFFFFFFF  }
0xad: {  	[dreg:$0x0] =	wrdreg $0x60  }
0xae: {  	[dreg:$0x2] =	wrdreg s24  }
0xaf: {  	[dreg:$0x3] =	wrdreg $0x2F800  }
0xb0: {  	[dreg:$0x4] =	wrdreg $0x9  }
0xb1: {  	_ =	task.clear_ibuf [dreg:s6], $0x5FFFF;
	_ =	strace $0x90000046  }
0xb2: {  	s29 =	simm.s32 $0x9;
	_ =	strace $0x80000048  }
0xb3: {  	_ =	swait.ge [sflag:s29], $0x1  }
0xb4: {  	[sflag:s29] =	ssyncadd.s32 $0xFFFFFFFF  }
0xb5: {  	_ =	strace $0x90000048  }
0xb6: {  	_ =	sfence  }
0xb7: {  	s30 =	sld [smem:$0x0];
	_ =	sdelay $0x2  }
0xb8: {  	s31 =	sshll.u32 s1, $0xD;
	s1 =	sshrl.u32 s1, $0x2  }
0xb9: {  	s3 =	sand.u32 $0x4000, s31;
	s1 =	sadd.s32 s1, s30  }
0xba: {  	s0 =	sor.u32 s3, s0;
	s1 =	sshll.u32 s1, $0x11  }
0xbb: {  	s0 =	sor.u32 s1, s0  }
0xbc: {  	s0 =	sadd.s32 $0x8F2B, s0  }
0xbd: {  	[sflag:s0] =	ssyncadd.remote.s32 $0x1  }
0xbe: {  	_ =	sfence.sel $0xFFFF  }
0xbf: {  	[dreg:$0x0] =	wrdreg $0xFFFFFFFF;
	(pc) =	sbr.abs _section_cstart, $3  }
0xc0: {  	[dreg:$0x1] =	wrdreg $0xFFFFFFFF  }
0xc1: {  	_ =	task.clear_ibuf [dreg:s6], $0x2FFFF;
	_ =	strace $0x9FFFFFFF  }
0xc2: {  	(tm) =	ssettm $0x7FFFFFFF  }
0xc3: {  	_ =	shalt  }
tec
execute0_lowered:
.L_overlay_start_1:
0x0: {  	(tag) =	ssettag $0x1  }
0x1: {  	s1 =	srdreg.scid;
	s6 =	rddreg [dreg:$0x0]  }
0x2: {  	s0 =	stileid.u32;
	s2 =	rddreg [dreg:$0x1]  }
0x3: {  	s3 =	simm.s32 $0x0;
	s13 =	simm.s32 $0x80;
	s14 =	simm.s32 $0x0  }
0x4: {  	s5 =	sand.u32 $0x1, s1;
	s30 =	sshll.u32 s0, $0x1;
	s7 =	smul.u32 $0x2800, s0  }
0x5: {  	[smem:$0x7FF] =	sst s3;
	s11 =	sshll.u32 s0, $0x6;
	s1 =	sor.u32 s5, s30  }
0x6: {  	s8 =	smul.u32 $0x28000, s5;
	s10 =	ssub.s32 $0x2, s5;
	s5 =	sadd.s32 $0x20E00, s6  }
0x7: {  	s11 =	sor.u32 $0x1C01, s11;
	s4 =	smul.u32 $0x4F0, s1;
	s1 =	rddreg [dreg:$0x2]  }
0x8: {  	_ =	strace $0x80000047;
	s31 =	sshrl.u32 s10, $0x1;
	s12 =	sadd.s32 s7, s2  }
0x9: {  	s8 =	sadd.s32 s7, s8;
	s10 =	ssub.s32 s10, s31;
	s12 =	sshrl.u32 s12, $0x3  }
0xa: {  	s9 =	sadd.s32 s4, s6;
	s4 =	sadd.s32 $0x20C00, s6;
	s8 =	sshrl.u32 s8, $0x3  }
0xb: {  	s8 =	sadd.s32 s8, s6;
	s6 =	sadd.s32 $0xD000, s9;
	s9 =	simm.s32 $0x1  }
0xc: {  	s7 =	sadd.s32 $0x21400, s8;
	s8 =	smax.u32 s10, $0x1;
	s10 =	simm.s32 $0x2780  }
.LBB2_1:
0xd: {  	[tilespmem:s3], [sflag:$0x1] =	stream.linear.gather [hbm4b:s6+s3], $0x2780, $0x38;
	[tilespmem:$0x5780] =	vst v63  }
0xe: {  	_ =	swait.ge [sflag:s9], $0x2780  }
0xf: {  	[sflag:s9] =	ssyncset.done $0x0  }
0x10: {  	[sflag:s9] =	ssyncadd.s32 $0xFFFFD880  }
0x11: {  	[tilespmem:s10], [sflag:$0x1] =	stream.linear.gather [hbm4b:s4+s3], $0x800, $0x38;
	[tilespmem:$0x5780] =	vst v63  }
0x12: {  	_ =	swait.ge [sflag:s9], $0x800  }
0x13: {  	[sflag:s9] =	ssyncset.done $0x0  }
0x14: {  	[sflag:s9] =	ssyncadd.s32 $0xFFFFF800  }
0x15: {  	[spmem:s12], [sflag:s11] =	dma.local [hbm:s5], $0x500  }
0x16: {  	_ =	swait.ge [sflag:s9], $0x500  }
0x17: {  	[sflag:s9] =	ssyncset.done $0x0  }
0x18: {  	[sflag:s9] =	ssyncadd.s32 $0xFFFFFB00  }
0x19: {  	s15 =	simm.s32 $0x0;
	[bflag:$0x0] =	sbarrier.arrive $0xFFFF  }
0x1a: {  	[spmem:s2] =	stream.indirect.scatter.add.f32 [tilespmem:s10], [sflag:$0x1], $0x10, s15, s13, $0xb8;
	[tilespmem:$0x5780] =	vst v63  }
0x1b: {  	_ =	swait.ge [sflag:s9], $0x800  }
0x1c: {  	s15 =	simm.s32 $0x200;
	[sflag:s9] =	ssyncset.done $0x0  }
.LBB2_2:
0x1d: {  	s16 =	sshra.s32 s15, $0x2;
	[sflag:s9] =	ssyncadd.s32 $0xFFFFF800;
	p0 =	sne.s32 s15, $0x9C00  }
0x1e: {  	[spmem:s2] =	stream.indirect.scatter.add.f32 [tilespmem:s10], [sflag:$0x1], $0x10, s16, s13, $0xb8;
	[tilespmem:$0x5780] =	vst v63  }
.Ltmp0:
0x1f: {  	_ = 	snop;
	(pc) =	sbr.rel @p0 .LBB2_2-.Ltmp0, $4  }
0x20: {  	_ = 	snop  }
0x21: {  	s15 =	sadd.s32 $0x200, s15  }
0x22: {  	_ =	swait.ge [sflag:s9], $0x800  }
0x23: {  	[sflag:s9] =	ssyncset.done $0x0  }
0x24: {  	s14 =	sadd.s32 $0x1, s14  }
0x25: {  	[sflag:s9] =	ssyncadd.s32 $0xFFFFF800;
	p0 =	sne.s32 s14, s8  }
.Ltmp1:
0x26: {  	[bflag:$0x0] =	sbarrier.arrive $0xFFFF;
	(pc) =	sbr.rel @p0 .LBB2_1-.Ltmp1, $4  }
0x27: {  	[hbm:s7], [sflag:s11] =	dma.local [spmem:s12], $0x500  }
0x28: {  	_ =	swait.ge [sflag:s9], $0x500  }
0x29: {  	[sflag:s9] =	ssyncset.done $0x0  }
0x2a: {  	[sflag:s9] =	ssyncadd.s32 $0xFFFFFB00  }
0x2b: {  	_ =	sfence.sel $0x180000  }
0x2c: {  	[bflag:$0x0] =	sbarrier.arrive $0xFFFF  }
0x2d: {  	p0 =	sne.s32 s0, $0x0;
	_ =	strace $0x90000047  }
0x2e: {  	s0 =	sadd.s32 @!p0 $0x100000, s1;
	[bflag:$0x2] =	sbarrier.arrive $0xFFFF  }
0x2f: {  	[sflag:s0] =	ssyncadd.tile.s32 @!p0 $0x1;
	_ =	shalt  }
.Lfunc_end2:
_tile_overlayer_lowered:
.L_overlay_start_2:
0x30: {  	(tag) =	ssettag $0x2  }
0x31: {  	s0 =	rddreg [dreg:$0x0];
	s2 =	stileid.u32  }
0x32: {  	s1 =	rddreg [dreg:$0x1];
	p0 =	sne.s32 s2, $0x0  }
0x33: {  	s3 =	rddreg [dreg:$0x2];
	[bflag:$0x3] =	sbarrier.arrive $0xFFFF;
	s2 =	simm.s32 @!p0 $0x1C01  }
0x34: {  	[timem:s3], [sflag:s2] =	dma.local @!p0 [hbm:s0], s1  }
0x35: {  	s0 =	simm.s32 @!p0 $0x1  }
0x36: {  	_ =	swait.ge @!p0 [sflag:s0], s1  }
0x37: {  	s1 =	ssub.s32 @!p0 $0x0, s1;
	[sflag:s0] =	ssyncset.done @!p0 $0x0  }
0x38: {  	[sflag:s0] =	ssyncadd.s32 @!p0 s1  }
0x39: {  	[bflag:$0x3] =	sbarrier.arrive $0xFFFF  }
0x3a: {  	_ =	shalt  }

</sc_bundles>
